<compile_context>
chip_gen: v7x
topology: tpu7x:2x2x1
jax: 0.10.2.dev20260603
libtpu: 0.0.44.dev20260713+nightly
codegen_flags: <defaults>
</compile_context>

<pallas_src>
import jax
import jax.numpy as jnp
from jax import lax
from jax.experimental import pallas as pl
from jax.experimental.pallas import tpu as pltpu
from jax.experimental.pallas import tpu_sc as plsc

NUM_EXPERTS = 8
TOP_K = 2
T = 2048
D = 768
FF = 2048

RT_TILE = 256
N_RT = T // RT_TILE

BLK = 256
NBLK = 24
NPAD = NBLK * BLK

NW = 32


def _route_body(x_ref, wmix_ref, wgate_ref,
                h_ref, logits_ref, probs_ref, zsum_ref, lbl_ref, load_ref,
                cnt_ref, blkexp_ref, pos01_ref, w01_ref,
                cnt1_scr, cnt2_scr, off_scr, m1_scr, m2_scr):
    i = pl.program_id(0)

    @pl.when(i < N_RT)
    def _sweep1():
        x = x_ref[...]
        xm = jnp.dot(x, wmix_ref[...], preferred_element_type=jnp.float32)
        hh = x + jnp.tanh(xm)
        h_ref[...] = hh.astype(jnp.bfloat16)
        logits = jnp.dot(hh, wgate_ref[...], preferred_element_type=jnp.float32)
        logits_ref[...] = logits
        mx = jnp.max(logits, axis=1, keepdims=True)
        ex = jnp.exp(logits - mx)
        den = jnp.sum(ex, axis=1, keepdims=True)
        probs = ex / den
        probs_ref[...] = probs

        e_iota = lax.broadcasted_iota(jnp.int32, probs.shape, 1)
        p1 = jnp.max(probs, axis=1, keepdims=True)
        is1 = probs == p1
        i1 = jnp.min(jnp.where(is1, e_iota, NUM_EXPERTS), axis=1, keepdims=True)
        sel1 = e_iota == i1
        pm = jnp.where(sel1, -jnp.inf, probs)
        p2 = jnp.max(pm, axis=1, keepdims=True)
        is2 = pm == p2
        i2 = jnp.min(jnp.where(is2, e_iota, NUM_EXPERTS), axis=1, keepdims=True)
        sel2 = e_iota == i2
        m1 = sel1.astype(jnp.float32)
        m2 = sel2.astype(jnp.float32)
        m1_scr[pl.ds(i * RT_TILE, RT_TILE), :] = m1
        m2_scr[pl.ds(i * RT_TILE, RT_TILE), :] = m2
        csum = jnp.sum(m1 + m2, axis=0, keepdims=True)
        wsum = p1 + p2
        w01_ref[...] = jnp.concatenate(
            [(p1 / wsum).reshape(1, RT_TILE), (p2 / wsum).reshape(1, RT_TILE)], axis=0)

        z = jnp.log(den[:, 0]) + mx[:, 0]
        z2 = jnp.sum(z * z).reshape(1, 1)
        psum = jnp.sum(probs, axis=0, keepdims=True)

        @pl.when(i == 0)
        def _init():
            zsum_ref[...] = z2
            load_ref[...] = psum
            cnt1_scr[...] = csum

        @pl.when(i > 0)
        def _acc():
            zsum_ref[...] += z2
            load_ref[...] += psum
            cnt1_scr[...] += csum

        @pl.when(i == N_RT - 1)
        def _fin():
            cnt = cnt1_scr[...]
            cnt_ref[...] = cnt.astype(jnp.int32)
            zsum_ref[...] = zsum_ref[...] / T
            load = load_ref[...] / T
            load_ref[...] = load
            frac = cnt / (T * TOP_K)
            lbl_ref[...] = (NUM_EXPERTS * jnp.sum(frac * load)).reshape(1, 1)
            nblk = jnp.floor((cnt + (BLK - 1)) * (1.0 / BLK))
            a = lax.broadcasted_iota(jnp.int32, (NUM_EXPERTS, NUM_EXPERTS), 0)
            b = lax.broadcasted_iota(jnp.int32, (NUM_EXPERTS, NUM_EXPERTS), 1)
            excl = (a < b).astype(jnp.float32)
            off = jnp.dot(nblk, excl, preferred_element_type=jnp.float32) * BLK
            off_scr[...] = off
            cb_end = ((off + nblk * BLK) * (1.0 / BLK)).astype(jnp.int32)
            bi = lax.broadcasted_iota(jnp.int32, (NBLK, NUM_EXPERTS), 0)
            ge = (bi >= jnp.broadcast_to(cb_end, (NBLK, NUM_EXPERTS))).astype(jnp.int32)
            be = jnp.sum(ge, axis=1).reshape(1, NBLK)
            blkexp_ref[...] = jnp.minimum(be, NUM_EXPERTS - 1)

    @pl.when(i == N_RT)
    def _init2():
        cnt2_scr[...] = jnp.zeros((1, NUM_EXPERTS), jnp.float32)

    @pl.when(i >= N_RT)
    def _sweep2():
        j = i - N_RT
        m1 = m1_scr[pl.ds(j * RT_TILE, RT_TILE), :]
        m2 = m2_scr[pl.ds(j * RT_TILE, RT_TILE), :]
        self_f = m1 + m2
        r = lax.broadcasted_iota(jnp.int32, (RT_TILE, RT_TILE), 0)
        c = lax.broadcasted_iota(jnp.int32, (RT_TILE, RT_TILE), 1)
        ltri = (c < r).astype(jnp.float32)
        rank_in = jnp.dot(ltri, self_f, preferred_element_type=jnp.float32)
        slot = off_scr[...] + cnt2_scr[...] + rank_in
        pos0 = jnp.sum(m1 * slot, axis=1)
        pos1 = jnp.sum(m2 * slot, axis=1)
        pos01_ref[...] = jnp.concatenate(
            [pos0.reshape(1, RT_TILE), pos1.reshape(1, RT_TILE)],
            axis=0).astype(jnp.int32)
        cnt2_scr[...] += jnp.sum(self_f, axis=0, keepdims=True)


def _sc_scatter_body(pos01_hbm, w01_hbm, ids_hbm, wq_hbm, pos_v, w_v, ids_v, wq_v):
    wid = lax.axis_index("s") * 2 + lax.axis_index("c")
    pltpu.sync_copy(pos01_hbm.at[0, pl.ds(0, T)], pos_v.at[pl.ds(0, T)])
    pltpu.sync_copy(pos01_hbm.at[1, pl.ds(0, T)], pos_v.at[pl.ds(T, T)])
    pltpu.sync_copy(w01_hbm.at[0, pl.ds(0, T)], w_v.at[pl.ds(0, T)])
    pltpu.sync_copy(w01_hbm.at[1, pl.ds(0, T)], w_v.at[pl.ds(T, T)])
    zeros_i = jnp.zeros((16,), jnp.int32)
    zeros_f = jnp.zeros((16,), jnp.float32)

    def _zero(j, _):
        ids_v[pl.ds(j * 16, 16)] = zeros_i
        wq_v[pl.ds(j * 16, 16)] = zeros_f
        return 0
    lax.fori_loop(0, NPAD // 16, _zero, 0)

    lane = lax.iota(jnp.int32, 16)

    def _scat(k, _):
        idx = pos_v[pl.ds(k * 16, 16)]
        tok = lax.rem(k * 16 + lane, T)
        plsc.store_scatter(ids_v, [idx], tok)
        vals = w_v[pl.ds(k * 16, 16)]
        plsc.store_scatter(wq_v, [idx], vals)
        return 0
    lax.fori_loop(0, (T * TOP_K) // 16, _scat, 0)

    span = NPAD // NW
    base = wid * span
    pltpu.sync_copy(ids_v.at[pl.ds(base, span)], ids_hbm.at[pl.ds(base, span)])
    pltpu.sync_copy(wq_v.at[pl.ds(base, span)], wq_hbm.at[pl.ds(base, span)])


def _ffn_body(blkexp_ref, ids_ref, h_ref, w1_ref, b1_ref, w2_ref, b2_ref,
              wq_ref, fin_ref):
    b = pl.program_id(0)
    ids = ids_ref[0, 0, :].reshape(BLK, 1)
    tok_c = lax.broadcasted_iota(jnp.int32, (BLK, T), 1)
    oh = (tok_c == jnp.broadcast_to(ids, (BLK, T))).astype(jnp.bfloat16)
    x = jnp.dot(oh, h_ref[pl.ds(0, T), :], preferred_element_type=jnp.float32)
    hid = jnp.dot(x.astype(jnp.bfloat16), w1_ref[0],
                  preferred_element_type=jnp.float32) + b1_ref[0]
    hid = jax.nn.gelu(hid)
    y = jnp.dot(hid.astype(jnp.bfloat16), w2_ref[0],
                preferred_element_type=jnp.float32) + b2_ref[0]
    y = y * wq_ref[0, 0, :].reshape(BLK, 1)
    tok_r = lax.broadcasted_iota(jnp.int32, (T, BLK), 0)
    oht = (tok_r == jnp.broadcast_to(ids.reshape(1, BLK), (T, BLK))).astype(jnp.bfloat16)
    contrib = jnp.dot(oht, y.astype(jnp.bfloat16), preferred_element_type=jnp.float32)

    @pl.when(b == 0)
    def _init():
        fin_ref[...] = contrib

    @pl.when(b > 0)
    def _acc():
        fin_ref[...] += contrib


def _route(x, W_mix, W_gate):
    return pl.pallas_call(
        _route_body,
        grid=(2 * N_RT,),
        in_specs=[
            pl.BlockSpec((RT_TILE, D), lambda i: (jnp.minimum(i, N_RT - 1), 0)),
            pl.BlockSpec((D, D), lambda i: (0, 0)),
            pl.BlockSpec((D, NUM_EXPERTS), lambda i: (0, 0)),
        ],
        out_specs=[
            pl.BlockSpec((RT_TILE, D), lambda i: (jnp.minimum(i, N_RT), 0)),
            pl.BlockSpec((RT_TILE, NUM_EXPERTS), lambda i: (jnp.minimum(i, N_RT), 0)),
            pl.BlockSpec((RT_TILE, NUM_EXPERTS), lambda i: (jnp.minimum(i, N_RT), 0)),
            pl.BlockSpec((1, 1), lambda i: (0, 0)),
            pl.BlockSpec((1, 1), lambda i: (0, 0)),
            pl.BlockSpec((1, NUM_EXPERTS), lambda i: (0, 0)),
            pl.BlockSpec((1, NUM_EXPERTS), lambda i: (0, 0)),
            pl.BlockSpec((1, NBLK), lambda i: (0, 0)),
            pl.BlockSpec((2, RT_TILE), lambda i: (0, jnp.where(i < N_RT, N_RT, i - N_RT))),
            pl.BlockSpec((2, RT_TILE), lambda i: (0, jnp.minimum(i, N_RT))),
        ],
        out_shape=[
            jax.ShapeDtypeStruct((T + RT_TILE, D), jnp.bfloat16),
            jax.ShapeDtypeStruct((T + RT_TILE, NUM_EXPERTS), jnp.float32),
            jax.ShapeDtypeStruct((T + RT_TILE, NUM_EXPERTS), jnp.float32),
            jax.ShapeDtypeStruct((1, 1), jnp.float32),
            jax.ShapeDtypeStruct((1, 1), jnp.float32),
            jax.ShapeDtypeStruct((1, NUM_EXPERTS), jnp.float32),
            jax.ShapeDtypeStruct((1, NUM_EXPERTS), jnp.int32),
            jax.ShapeDtypeStruct((1, NBLK), jnp.int32),
            jax.ShapeDtypeStruct((2, T + RT_TILE), jnp.int32),
            jax.ShapeDtypeStruct((2, T + RT_TILE), jnp.float32),
        ],
        scratch_shapes=[
            pltpu.VMEM((1, NUM_EXPERTS), jnp.float32),
            pltpu.VMEM((1, NUM_EXPERTS), jnp.float32),
            pltpu.VMEM((1, NUM_EXPERTS), jnp.float32),
            pltpu.VMEM((T, NUM_EXPERTS), jnp.float32),
            pltpu.VMEM((T, NUM_EXPERTS), jnp.float32),
        ],
    )(x, W_mix, W_gate)


def _invert_slots(pos01, w01):
    mesh = plsc.VectorSubcoreMesh(core_axis_name="c", subcore_axis_name="s")
    return pl.kernel(
        _sc_scatter_body,
        out_type=[
            jax.ShapeDtypeStruct((NPAD,), jnp.int32),
            jax.ShapeDtypeStruct((NPAD,), jnp.float32),
        ],
        mesh=mesh,
        scratch_types=[
            pltpu.VMEM((T * TOP_K,), jnp.int32),
            pltpu.VMEM((T * TOP_K,), jnp.float32),
            pltpu.VMEM((NPAD,), jnp.int32),
            pltpu.VMEM((NPAD,), jnp.float32),
        ],
        compiler_params=pltpu.CompilerParams(needs_layout_passes=False),
    )(pos01, w01)


def kernel(h_t, W_mix, W_gate, W1, b1, W2, b2):
    x = h_t.reshape(T, D)
    W1b = W1.astype(jnp.bfloat16)
    W2b = W2.astype(jnp.bfloat16)

    (h_bf, logits, probs, zloss, lbl, load, cnt_i, blkexp, pos01, w01) = _route(x, W_mix, W_gate)

    ids_buf, wq_buf = _invert_slots(pos01, w01)

    b1r = b1.reshape(NUM_EXPERTS, 1, FF)
    b2r = b2.reshape(NUM_EXPERTS, 1, D)
    wqr = wq_buf.reshape(NBLK, 1, BLK)
    idsr = ids_buf.reshape(NBLK, 1, BLK)

    final = pl.pallas_call(
        _ffn_body,
        grid_spec=pltpu.PrefetchScalarGridSpec(
            num_scalar_prefetch=1,
            grid=(NBLK,),
            in_specs=[
                pl.BlockSpec((1, 1, BLK), lambda b, be: (b, 0, 0)),
                pl.BlockSpec((T + RT_TILE, D), lambda b, be: (0, 0)),
                pl.BlockSpec((1, D, FF), lambda b, be: (be[b], 0, 0)),
                pl.BlockSpec((1, 1, FF), lambda b, be: (be[b], 0, 0)),
                pl.BlockSpec((1, FF, D), lambda b, be: (be[b], 0, 0)),
                pl.BlockSpec((1, 1, D), lambda b, be: (be[b], 0, 0)),
                pl.BlockSpec((1, 1, BLK), lambda b, be: (b, 0, 0)),
            ],
            out_specs=pl.BlockSpec((T, D), lambda b, be: (0, 0)),
        ),
        out_shape=jax.ShapeDtypeStruct((T, D), jnp.float32),
    )(blkexp.reshape(NBLK), idsr, h_bf, W1b, b1r, W2b, b2r, wqr)

    final_hidden_states = final.reshape(1, T, D)
    z_loss = zloss.reshape(())
    load_balancing_loss = lbl.reshape(())
    expert_load = load.reshape(NUM_EXPERTS)
    expert_token_counts = cnt_i.reshape(NUM_EXPERTS)
    return (logits[:T], probs[:T], final_hidden_states, z_loss,
            load_balancing_loss, expert_load, expert_token_counts)

# --- scband reference (transcript-rebuilt; emitter-appended) ---
"""Pipeline reference for scband-mox-elayer-35734127902862 (READ-ONLY COPY).

The authoritative reference and input builder live on the scoring server;
editing this copy changes nothing except your own understanding.
"""

import jax, jax.numpy as jnp
import numpy as np

NUM_EXPERTS = 8
TOP_K = 2
B, S, D = 1, 2048, 768
FF = 2048


def setup_inputs(seed: int = 0) -> dict:
    key = jax.random.key(seed)
    ks = jax.random.split(key, 8)
    h_t = jax.random.normal(ks[0], (B, S, D), dtype=jnp.float32)
    W_mix = jax.random.normal(ks[1], (D, D), dtype=jnp.float32) * (1.0 / np.sqrt(D))
    W_gate = jax.random.normal(ks[2], (D, NUM_EXPERTS), dtype=jnp.float32) * 0.02
    W1 = jax.random.normal(ks[3], (NUM_EXPERTS, D, FF), dtype=jnp.float32) * (1.0 / np.sqrt(D))
    b1 = jnp.zeros((NUM_EXPERTS, FF), dtype=jnp.float32)
    W2 = jax.random.normal(ks[4], (NUM_EXPERTS, FF, D), dtype=jnp.float32) * (1.0 / np.sqrt(FF))
    b2 = jnp.zeros((NUM_EXPERTS, D), dtype=jnp.float32)
    return {"h_t": h_t, "W_mix": W_mix, "W_gate": W_gate, "W1": W1, "b1": b1, "W2": W2, "b2": b2}


def reference(h_t, W_mix, W_gate, W1, b1, W2, b2):
    # Sequence mixer (xLSTMBlockStack proxy): residual token-wise projection.
    h = h_t + jnp.tanh(jnp.einsum('bsd,de->bse', h_t, W_mix))
    Bb, Ss, Dd = h.shape
    flat_h = h.reshape(Bb * Ss, Dd)
    # STANDARD router: linear gate (no bias), softmax over experts.
    gate_logits = flat_h @ W_gate                       # [T, E]
    router_probs = jax.nn.softmax(gate_logits, axis=1)  # [T, E]
    top_k_weights, top_k_indices = jax.lax.top_k(router_probs, TOP_K)
    top_k_weights = top_k_weights / jnp.sum(top_k_weights, axis=-1, keepdims=True)
    top_k_weights = top_k_weights.astype(h.dtype)
    # Expert FFNs (dense equivalent of lax.switch dispatch): compute every
    # expert's output for every token, then gather the selected top-k.
    hidden = jax.nn.gelu(jnp.einsum('td,edf->etf', flat_h, W1) + b1[:, None, :])  # [E, T, FF]
    all_out = jnp.einsum('etf,efd->etd', hidden, W2) + b2[:, None, :]             # [E, T, D]
    all_out_t = jnp.transpose(all_out, (1, 0, 2))                                  # [T, E, D]
    sel = jnp.take_along_axis(all_out_t, top_k_indices[:, :, None], axis=1)        # [T, K, D]
    expert_outputs = jnp.sum(sel * top_k_weights[:, :, None], axis=1)              # [T, D]
    final_hidden_states = expert_outputs.reshape(Bb, Ss, Dd)
    # router z-loss
    z = jax.nn.logsumexp(gate_logits, axis=-1)
    z_loss = jnp.mean(jnp.square(z))
    # auxiliary load-balancing loss (Switch-style)
    T = flat_h.shape[0]
    expert_token_counts = jnp.bincount(top_k_indices.reshape(-1), length=NUM_EXPERTS)
    frac_tokens = expert_token_counts.astype(jnp.float32) / (T * TOP_K)
    expert_load = jnp.mean(router_probs, axis=0)
    load_balancing_loss = NUM_EXPERTS * jnp.sum(frac_tokens * expert_load)
    return (gate_logits, router_probs, final_hidden_states, z_loss, load_balancing_loss, expert_load, expert_token_counts)

if __name__ == "__main__":
    import jax
    _d = setup_inputs()
    print(jax.jit(kernel)(*tuple(_d.values())))

</pallas_src>

<mosaic_0001>
#map = affine_map<(d0, d1) -> (0, 0)>
#map1 = affine_map<(d0, d1) -> (0)>
module attributes {stable_mosaic.version = 14 : i64} {
  func.func @_sc_scatter_body(%arg0: i32, %arg1: i32, %arg2: memref<2x2304xi32, #tpu.memory_space<hbm>>, %arg3: memref<2x2304xf32, #tpu.memory_space<hbm>>, %arg4: memref<6144xi32, #tpu.memory_space<hbm>>, %arg5: memref<6144xf32, #tpu.memory_space<hbm>>, %arg6: memref<4096xi32, #tpu.memory_space<vmem>>, %arg7: memref<4096xf32, #tpu.memory_space<vmem>>, %arg8: memref<6144xi32, #tpu.memory_space<vmem>>, %arg9: memref<6144xf32, #tpu.memory_space<vmem>>) attributes {dimension_semantics = [#tpu.dimension_semantics<core_parallel>, #tpu.dimension_semantics<subcore_parallel>], iteration_bounds = array<i64: 2, 16>, scalar_prefetch = 0 : i64, scratch_operands = 4 : i64, tpu.core_type = #tpu.core_type<sc_vector_subcore>, window_params = [{transform_indices = #map}, {transform_indices = #map}, {transform_indices = #map1}, {transform_indices = #map1}]} {
    %mul3A = arith.constant 2 : i32
    %mul3A_0 = arith.muli %arg1, %mul3A : i32
    %add3A = arith.addi %mul3A_0, %arg0 : i32
    %run_scoped3A = arith.constant 0 : i32
    "tpu.region"() ({
      %run_scoped3A_22 = tpu.sem_alloc : memref<!tpu.dma_semaphore, #tpu.memory_space<semaphore_mem>>
      %dma_start3A = arith.constant 0 : i32
      %dma_start3A_23 = tpu.memref_slice %arg6[%dma_start3A] : memref<4096xi32, #tpu.memory_space<vmem>> -> memref<2048xi32, #tpu.memory_space<vmem>>
      %dma_start3A_24 = arith.constant 0 : i32
      %dma_start3A_25 = tpu.memref_slice %arg2[%run_scoped3A, %dma_start3A_24] : memref<2x2304xi32, #tpu.memory_space<hbm>> -> memref<1x2048xi32, #tpu.memory_space<hbm>>
      %dma_start3A_26 = tpu.memref_squeeze %dma_start3A_25 : memref<1x2048xi32, #tpu.memory_space<hbm>> -> memref<2048xi32, #tpu.memory_space<hbm>>
      %dma_start3A_27 = arith.constant 0 : i32
      %dma_start3A_28 = tpu.memref_slice %arg6[%dma_start3A_27] : memref<4096xi32, #tpu.memory_space<vmem>> -> memref<2048xi32, #tpu.memory_space<vmem>>
      %dma_start3A_29 = arith.constant 0 : i32
      %dma_start3A_30 = tpu.memref_slice %arg2[%run_scoped3A, %dma_start3A_29] : memref<2x2304xi32, #tpu.memory_space<hbm>> -> memref<1x2048xi32, #tpu.memory_space<hbm>>
      %dma_start3A_31 = tpu.memref_squeeze %dma_start3A_30 : memref<1x2048xi32, #tpu.memory_space<hbm>> -> memref<2048xi32, #tpu.memory_space<hbm>>
      tpu.enqueue_dma source(%dma_start3A_31 : memref<2048xi32, #tpu.memory_space<hbm>>) target(%dma_start3A_28 : memref<2048xi32, #tpu.memory_space<vmem>>) target_semaphore(%run_scoped3A_22 : memref<!tpu.dma_semaphore, #tpu.memory_space<semaphore_mem>>)
      %dma_wait3A = arith.constant 0 : i32
      %dma_wait3A_32 = tpu.memref_slice %arg6[%dma_wait3A] : memref<4096xi32, #tpu.memory_space<vmem>> -> memref<2048xi32, #tpu.memory_space<vmem>>
      %dma_wait3A_33 = arith.constant 0 : i32
      %dma_wait3A_34 = tpu.memref_slice %arg2[%run_scoped3A, %dma_wait3A_33] : memref<2x2304xi32, #tpu.memory_space<hbm>> -> memref<1x2048xi32, #tpu.memory_space<hbm>>
      %dma_wait3A_35 = tpu.memref_squeeze %dma_wait3A_34 : memref<1x2048xi32, #tpu.memory_space<hbm>> -> memref<2048xi32, #tpu.memory_space<hbm>>
      %dma_wait3A_36 = arith.constant 0 : i32
      %dma_wait3A_37 = tpu.memref_slice %arg6[%dma_wait3A_36] : memref<4096xi32, #tpu.memory_space<vmem>> -> memref<2048xi32, #tpu.memory_space<vmem>>
      %dma_wait3A_38 = arith.constant 0 : i32
      %dma_wait3A_39 = tpu.memref_slice %arg2[%run_scoped3A, %dma_wait3A_38] : memref<2x2304xi32, #tpu.memory_space<hbm>> -> memref<1x2048xi32, #tpu.memory_space<hbm>>
      %dma_wait3A_40 = tpu.memref_squeeze %dma_wait3A_39 : memref<1x2048xi32, #tpu.memory_space<hbm>> -> memref<2048xi32, #tpu.memory_space<hbm>>
      tpu.wait_dma2 semaphore(%run_scoped3A_22 : memref<!tpu.dma_semaphore, #tpu.memory_space<semaphore_mem>>) src(%dma_wait3A_40 : memref<2048xi32, #tpu.memory_space<hbm>>) dst(%dma_wait3A_37 : memref<2048xi32, #tpu.memory_space<vmem>>)
      tpu.yield
    }) : () -> ()
    %run_scoped3A_1 = arith.constant 1 : i32
    "tpu.region"() ({
      %run_scoped3A_22 = tpu.sem_alloc : memref<!tpu.dma_semaphore, #tpu.memory_space<semaphore_mem>>
      %dma_start3A = arith.constant 2048 : i32
      %dma_start3A_23 = tpu.memref_slice %arg6[%dma_start3A] : memref<4096xi32, #tpu.memory_space<vmem>> -> memref<2048xi32, #tpu.memory_space<vmem>>
      %dma_start3A_24 = arith.constant 0 : i32
      %dma_start3A_25 = tpu.memref_slice %arg2[%run_scoped3A_1, %dma_start3A_24] : memref<2x2304xi32, #tpu.memory_space<hbm>> -> memref<1x2048xi32, #tpu.memory_space<hbm>>
      %dma_start3A_26 = tpu.memref_squeeze %dma_start3A_25 : memref<1x2048xi32, #tpu.memory_space<hbm>> -> memref<2048xi32, #tpu.memory_space<hbm>>
      %dma_start3A_27 = arith.constant 2048 : i32
      %dma_start3A_28 = tpu.memref_slice %arg6[%dma_start3A_27] : memref<4096xi32, #tpu.memory_space<vmem>> -> memref<2048xi32, #tpu.memory_space<vmem>>
      %dma_start3A_29 = arith.constant 0 : i32
      %dma_start3A_30 = tpu.memref_slice %arg2[%run_scoped3A_1, %dma_start3A_29] : memref<2x2304xi32, #tpu.memory_space<hbm>> -> memref<1x2048xi32, #tpu.memory_space<hbm>>
      %dma_start3A_31 = tpu.memref_squeeze %dma_start3A_30 : memref<1x2048xi32, #tpu.memory_space<hbm>> -> memref<2048xi32, #tpu.memory_space<hbm>>
      tpu.enqueue_dma source(%dma_start3A_31 : memref<2048xi32, #tpu.memory_space<hbm>>) target(%dma_start3A_28 : memref<2048xi32, #tpu.memory_space<vmem>>) target_semaphore(%run_scoped3A_22 : memref<!tpu.dma_semaphore, #tpu.memory_space<semaphore_mem>>)
      %dma_wait3A = arith.constant 2048 : i32
      %dma_wait3A_32 = tpu.memref_slice %arg6[%dma_wait3A] : memref<4096xi32, #tpu.memory_space<vmem>> -> memref<2048xi32, #tpu.memory_space<vmem>>
      %dma_wait3A_33 = arith.constant 0 : i32
      %dma_wait3A_34 = tpu.memref_slice %arg2[%run_scoped3A_1, %dma_wait3A_33] : memref<2x2304xi32, #tpu.memory_space<hbm>> -> memref<1x2048xi32, #tpu.memory_space<hbm>>
      %dma_wait3A_35 = tpu.memref_squeeze %dma_wait3A_34 : memref<1x2048xi32, #tpu.memory_space<hbm>> -> memref<2048xi32, #tpu.memory_space<hbm>>
      %dma_wait3A_36 = arith.constant 2048 : i32
      %dma_wait3A_37 = tpu.memref_slice %arg6[%dma_wait3A_36] : memref<4096xi32, #tpu.memory_space<vmem>> -> memref<2048xi32, #tpu.memory_space<vmem>>
      %dma_wait3A_38 = arith.constant 0 : i32
      %dma_wait3A_39 = tpu.memref_slice %arg2[%run_scoped3A_1, %dma_wait3A_38] : memref<2x2304xi32, #tpu.memory_space<hbm>> -> memref<1x2048xi32, #tpu.memory_space<hbm>>
      %dma_wait3A_40 = tpu.memref_squeeze %dma_wait3A_39 : memref<1x2048xi32, #tpu.memory_space<hbm>> -> memref<2048xi32, #tpu.memory_space<hbm>>
      tpu.wait_dma2 semaphore(%run_scoped3A_22 : memref<!tpu.dma_semaphore, #tpu.memory_space<semaphore_mem>>) src(%dma_wait3A_40 : memref<2048xi32, #tpu.memory_space<hbm>>) dst(%dma_wait3A_37 : memref<2048xi32, #tpu.memory_space<vmem>>)
      tpu.yield
    }) : () -> ()
    %run_scoped3A_2 = arith.constant 0 : i32
    "tpu.region"() ({
      %run_scoped3A_22 = tpu.sem_alloc : memref<!tpu.dma_semaphore, #tpu.memory_space<semaphore_mem>>
      %dma_start3A = arith.constant 0 : i32
      %dma_start3A_23 = tpu.memref_slice %arg7[%dma_start3A] : memref<4096xf32, #tpu.memory_space<vmem>> -> memref<2048xf32, #tpu.memory_space<vmem>>
      %dma_start3A_24 = arith.constant 0 : i32
      %dma_start3A_25 = tpu.memref_slice %arg3[%run_scoped3A_2, %dma_start3A_24] : memref<2x2304xf32, #tpu.memory_space<hbm>> -> memref<1x2048xf32, #tpu.memory_space<hbm>>
      %dma_start3A_26 = tpu.memref_squeeze %dma_start3A_25 : memref<1x2048xf32, #tpu.memory_space<hbm>> -> memref<2048xf32, #tpu.memory_space<hbm>>
      %dma_start3A_27 = arith.constant 0 : i32
      %dma_start3A_28 = tpu.memref_slice %arg7[%dma_start3A_27] : memref<4096xf32, #tpu.memory_space<vmem>> -> memref<2048xf32, #tpu.memory_space<vmem>>
      %dma_start3A_29 = arith.constant 0 : i32
      %dma_start3A_30 = tpu.memref_slice %arg3[%run_scoped3A_2, %dma_start3A_29] : memref<2x2304xf32, #tpu.memory_space<hbm>> -> memref<1x2048xf32, #tpu.memory_space<hbm>>
      %dma_start3A_31 = tpu.memref_squeeze %dma_start3A_30 : memref<1x2048xf32, #tpu.memory_space<hbm>> -> memref<2048xf32, #tpu.memory_space<hbm>>
      tpu.enqueue_dma source(%dma_start3A_31 : memref<2048xf32, #tpu.memory_space<hbm>>) target(%dma_start3A_28 : memref<2048xf32, #tpu.memory_space<vmem>>) target_semaphore(%run_scoped3A_22 : memref<!tpu.dma_semaphore, #tpu.memory_space<semaphore_mem>>)
      %dma_wait3A = arith.constant 0 : i32
      %dma_wait3A_32 = tpu.memref_slice %arg7[%dma_wait3A] : memref<4096xf32, #tpu.memory_space<vmem>> -> memref<2048xf32, #tpu.memory_space<vmem>>
      %dma_wait3A_33 = arith.constant 0 : i32
      %dma_wait3A_34 = tpu.memref_slice %arg3[%run_scoped3A_2, %dma_wait3A_33] : memref<2x2304xf32, #tpu.memory_space<hbm>> -> memref<1x2048xf32, #tpu.memory_space<hbm>>
      %dma_wait3A_35 = tpu.memref_squeeze %dma_wait3A_34 : memref<1x2048xf32, #tpu.memory_space<hbm>> -> memref<2048xf32, #tpu.memory_space<hbm>>
      %dma_wait3A_36 = arith.constant 0 : i32
      %dma_wait3A_37 = tpu.memref_slice %arg7[%dma_wait3A_36] : memref<4096xf32, #tpu.memory_space<vmem>> -> memref<2048xf32, #tpu.memory_space<vmem>>
      %dma_wait3A_38 = arith.constant 0 : i32
      %dma_wait3A_39 = tpu.memref_slice %arg3[%run_scoped3A_2, %dma_wait3A_38] : memref<2x2304xf32, #tpu.memory_space<hbm>> -> memref<1x2048xf32, #tpu.memory_space<hbm>>
      %dma_wait3A_40 = tpu.memref_squeeze %dma_wait3A_39 : memref<1x2048xf32, #tpu.memory_space<hbm>> -> memref<2048xf32, #tpu.memory_space<hbm>>
      tpu.wait_dma2 semaphore(%run_scoped3A_22 : memref<!tpu.dma_semaphore, #tpu.memory_space<semaphore_mem>>) src(%dma_wait3A_40 : memref<2048xf32, #tpu.memory_space<hbm>>) dst(%dma_wait3A_37 : memref<2048xf32, #tpu.memory_space<vmem>>)
      tpu.yield
    }) : () -> ()
    %run_scoped3A_3 = arith.constant 1 : i32
    "tpu.region"() ({
      %run_scoped3A_22 = tpu.sem_alloc : memref<!tpu.dma_semaphore, #tpu.memory_space<semaphore_mem>>
      %dma_start3A = arith.constant 2048 : i32
      %dma_start3A_23 = tpu.memref_slice %arg7[%dma_start3A] : memref<4096xf32, #tpu.memory_space<vmem>> -> memref<2048xf32, #tpu.memory_space<vmem>>
      %dma_start3A_24 = arith.constant 0 : i32
      %dma_start3A_25 = tpu.memref_slice %arg3[%run_scoped3A_3, %dma_start3A_24] : memref<2x2304xf32, #tpu.memory_space<hbm>> -> memref<1x2048xf32, #tpu.memory_space<hbm>>
      %dma_start3A_26 = tpu.memref_squeeze %dma_start3A_25 : memref<1x2048xf32, #tpu.memory_space<hbm>> -> memref<2048xf32, #tpu.memory_space<hbm>>
      %dma_start3A_27 = arith.constant 2048 : i32
      %dma_start3A_28 = tpu.memref_slice %arg7[%dma_start3A_27] : memref<4096xf32, #tpu.memory_space<vmem>> -> memref<2048xf32, #tpu.memory_space<vmem>>
      %dma_start3A_29 = arith.constant 0 : i32
      %dma_start3A_30 = tpu.memref_slice %arg3[%run_scoped3A_3, %dma_start3A_29] : memref<2x2304xf32, #tpu.memory_space<hbm>> -> memref<1x2048xf32, #tpu.memory_space<hbm>>
      %dma_start3A_31 = tpu.memref_squeeze %dma_start3A_30 : memref<1x2048xf32, #tpu.memory_space<hbm>> -> memref<2048xf32, #tpu.memory_space<hbm>>
      tpu.enqueue_dma source(%dma_start3A_31 : memref<2048xf32, #tpu.memory_space<hbm>>) target(%dma_start3A_28 : memref<2048xf32, #tpu.memory_space<vmem>>) target_semaphore(%run_scoped3A_22 : memref<!tpu.dma_semaphore, #tpu.memory_space<semaphore_mem>>)
      %dma_wait3A = arith.constant 2048 : i32
      %dma_wait3A_32 = tpu.memref_slice %arg7[%dma_wait3A] : memref<4096xf32, #tpu.memory_space<vmem>> -> memref<2048xf32, #tpu.memory_space<vmem>>
      %dma_wait3A_33 = arith.constant 0 : i32
      %dma_wait3A_34 = tpu.memref_slice %arg3[%run_scoped3A_3, %dma_wait3A_33] : memref<2x2304xf32, #tpu.memory_space<hbm>> -> memref<1x2048xf32, #tpu.memory_space<hbm>>
      %dma_wait3A_35 = tpu.memref_squeeze %dma_wait3A_34 : memref<1x2048xf32, #tpu.memory_space<hbm>> -> memref<2048xf32, #tpu.memory_space<hbm>>
      %dma_wait3A_36 = arith.constant 2048 : i32
      %dma_wait3A_37 = tpu.memref_slice %arg7[%dma_wait3A_36] : memref<4096xf32, #tpu.memory_space<vmem>> -> memref<2048xf32, #tpu.memory_space<vmem>>
      %dma_wait3A_38 = arith.constant 0 : i32
      %dma_wait3A_39 = tpu.memref_slice %arg3[%run_scoped3A_3, %dma_wait3A_38] : memref<2x2304xf32, #tpu.memory_space<hbm>> -> memref<1x2048xf32, #tpu.memory_space<hbm>>
      %dma_wait3A_40 = tpu.memref_squeeze %dma_wait3A_39 : memref<1x2048xf32, #tpu.memory_space<hbm>> -> memref<2048xf32, #tpu.memory_space<hbm>>
      tpu.wait_dma2 semaphore(%run_scoped3A_22 : memref<!tpu.dma_semaphore, #tpu.memory_space<semaphore_mem>>) src(%dma_wait3A_40 : memref<2048xf32, #tpu.memory_space<hbm>>) dst(%dma_wait3A_37 : memref<2048xf32, #tpu.memory_space<vmem>>)
      tpu.yield
    }) : () -> ()
    %broadcast_in_dim3A = arith.constant 0 : i32
    %broadcast_in_dim3A_4 = vector.broadcast %broadcast_in_dim3A : i32 to vector<16xi32>
    %broadcast_in_dim3A_5 = arith.constant 0.000000e+00 : f32
    %broadcast_in_dim3A_6 = vector.broadcast %broadcast_in_dim3A_5 : f32 to vector<16xf32>
    %scan3A = arith.constant 0 : i32
    %scan3A_7 = arith.constant 0 : i32
    %scan3A_8 = arith.constant 384 : i32
    %scan3A_9 = arith.addi %scan3A_7, %scan3A_8 : i32
    %scan3A_10 = arith.constant 1 : i32
    %scan3A_11 = scf.for %scan3A_22 = %scan3A_7 to %scan3A_9 step %scan3A_10 iter_args(%scan3A_23 = %scan3A) -> (i32)  : i32 {
      %mul3A_24 = arith.constant 16 : i32
      %mul3A_25 = arith.muli %scan3A_22, %mul3A_24 : i32
      %swap3A = arith.index_cast %mul3A_25 : i32 to index
      %swap3A_26 = tpu.vector_load %arg8[%swap3A] {strides = array<i32>} : memref<6144xi32, #tpu.memory_space<vmem>>, vector<16xi32>,
      tpu.vector_store %arg8[%swap3A], %broadcast_in_dim3A_4 {strides = array<i32>} : memref<6144xi32, #tpu.memory_space<vmem>>, vector<16xi32>,
      %mul3A_27 = arith.constant 16 : i32
      %mul3A_28 = arith.muli %scan3A_22, %mul3A_27 : i32
      %swap3A_29 = arith.index_cast %mul3A_28 : i32 to index
      %swap3A_30 = tpu.vector_load %arg9[%swap3A_29] {strides = array<i32>} : memref<6144xf32, #tpu.memory_space<vmem>>, vector<16xf32>,
      tpu.vector_store %arg9[%swap3A_29], %broadcast_in_dim3A_6 {strides = array<i32>} : memref<6144xf32, #tpu.memory_space<vmem>>, vector<16xf32>,
      %scan3A_31 = arith.constant 0 : i32
      scf.yield %scan3A_31 : i32
    }
    %scan3A_12 = arith.constant 384 : i32
    %iota3A = tpu.iota {dimensions = array<i32: 0>} : vector<16xi32>
    %scan3A_13 = arith.constant 0 : i32
    %scan3A_14 = arith.constant 0 : i32
    %scan3A_15 = arith.constant 256 : i32
    %scan3A_16 = arith.addi %scan3A_14, %scan3A_15 : i32
    %scan3A_17 = arith.constant 1 : i32
    %scan3A_18 = scf.for %scan3A_22 = %scan3A_14 to %scan3A_16 step %scan3A_17 iter_args(%scan3A_23 = %scan3A_13) -> (i32)  : i32 {
      %mul3A_24 = arith.constant 16 : i32
      %mul3A_25 = arith.muli %scan3A_22, %mul3A_24 : i32
      %get3A = arith.index_cast %mul3A_25 : i32 to index
      %get3A_26 = tpu.vector_load %arg6[%get3A] {strides = array<i32>} : memref<4096xi32, #tpu.memory_space<vmem>>, vector<16xi32>,
      %mul3A_27 = arith.constant 16 : i32
      %mul3A_28 = arith.muli %scan3A_22, %mul3A_27 : i32
      %add3A_29 = vector.broadcast %mul3A_28 : i32 to vector<16xi32>
      %add3A_30 = arith.addi %add3A_29, %iota3A : vector<16xi32>
      %rem3A = arith.constant 2048 : i32
      %rem3A_31 = vector.broadcast %rem3A : i32 to vector<16xi32>
      %rem3A_32 = arith.remsi %add3A_30, %rem3A_31 : vector<16xi32>
      tpu.vector_store_idx %arg8[%get3A_26], %rem3A_32 : memref<6144xi32, #tpu.memory_space<vmem>>[vector<16xi32>], vector<16xi32>,
      %mul3A_33 = arith.constant 16 : i32
      %mul3A_34 = arith.muli %scan3A_22, %mul3A_33 : i32
      %get3A_35 = arith.index_cast %mul3A_34 : i32 to index
      %get3A_36 = tpu.vector_load %arg7[%get3A_35] {strides = array<i32>} : memref<4096xf32, #tpu.memory_space<vmem>>, vector<16xf32>,
      tpu.vector_store_idx %arg9[%get3A_26], %get3A_36 : memref<6144xf32, #tpu.memory_space<vmem>>[vector<16xi32>], vector<16xf32>,
      %scan3A_37 = arith.constant 0 : i32
      scf.yield %scan3A_37 : i32
    }
    %scan3A_19 = arith.constant 256 : i32
    %mul3A_20 = arith.constant 192 : i32
    %mul3A_21 = arith.muli %add3A, %mul3A_20 : i32
    "tpu.region"() ({
      %run_scoped3A_22 = tpu.sem_alloc : memref<!tpu.dma_semaphore, #tpu.memory_space<semaphore_mem>>
      %dma_start3A = tpu.memref_slice %arg8[%mul3A_21] : memref<6144xi32, #tpu.memory_space<vmem>> -> memref<192xi32, #tpu.memory_space<vmem>>
      %dma_start3A_23 = tpu.memref_slice %arg4[%mul3A_21] : memref<6144xi32, #tpu.memory_space<hbm>> -> memref<192xi32, #tpu.memory_space<hbm>>
      %dma_start3A_24 = tpu.memref_slice %arg4[%mul3A_21] : memref<6144xi32, #tpu.memory_space<hbm>> -> memref<192xi32, #tpu.memory_space<hbm>>
      %dma_start3A_25 = tpu.memref_slice %arg8[%mul3A_21] : memref<6144xi32, #tpu.memory_space<vmem>> -> memref<192xi32, #tpu.memory_space<vmem>>
      tpu.enqueue_dma source(%dma_start3A_25 : memref<192xi32, #tpu.memory_space<vmem>>) target(%dma_start3A_24 : memref<192xi32, #tpu.memory_space<hbm>>) target_semaphore(%run_scoped3A_22 : memref<!tpu.dma_semaphore, #tpu.memory_space<semaphore_mem>>)
      %dma_wait3A = tpu.memref_slice %arg8[%mul3A_21] : memref<6144xi32, #tpu.memory_space<vmem>> -> memref<192xi32, #tpu.memory_space<vmem>>
      %dma_wait3A_26 = tpu.memref_slice %arg4[%mul3A_21] : memref<6144xi32, #tpu.memory_space<hbm>> -> memref<192xi32, #tpu.memory_space<hbm>>
      %dma_wait3A_27 = tpu.memref_slice %arg4[%mul3A_21] : memref<6144xi32, #tpu.memory_space<hbm>> -> memref<192xi32, #tpu.memory_space<hbm>>
      %dma_wait3A_28 = tpu.memref_slice %arg8[%mul3A_21] : memref<6144xi32, #tpu.memory_space<vmem>> -> memref<192xi32, #tpu.memory_space<vmem>>
      tpu.wait_dma2 semaphore(%run_scoped3A_22 : memref<!tpu.dma_semaphore, #tpu.memory_space<semaphore_mem>>) src(%dma_wait3A_28 : memref<192xi32, #tpu.memory_space<vmem>>) dst(%dma_wait3A_27 : memref<192xi32, #tpu.memory_space<hbm>>)
      tpu.yield
    }) : () -> ()
    "tpu.region"() ({
      %run_scoped3A_22 = tpu.sem_alloc : memref<!tpu.dma_semaphore, #tpu.memory_space<semaphore_mem>>
      %dma_start3A = tpu.memref_slice %arg9[%mul3A_21] : memref<6144xf32, #tpu.memory_space<vmem>> -> memref<192xf32, #tpu.memory_space<vmem>>
      %dma_start3A_23 = tpu.memref_slice %arg5[%mul3A_21] : memref<6144xf32, #tpu.memory_space<hbm>> -> memref<192xf32, #tpu.memory_space<hbm>>
      %dma_start3A_24 = tpu.memref_slice %arg5[%mul3A_21] : memref<6144xf32, #tpu.memory_space<hbm>> -> memref<192xf32, #tpu.memory_space<hbm>>
      %dma_start3A_25 = tpu.memref_slice %arg9[%mul3A_21] : memref<6144xf32, #tpu.memory_space<vmem>> -> memref<192xf32, #tpu.memory_space<vmem>>
      tpu.enqueue_dma source(%dma_start3A_25 : memref<192xf32, #tpu.memory_space<vmem>>) target(%dma_start3A_24 : memref<192xf32, #tpu.memory_space<hbm>>) target_semaphore(%run_scoped3A_22 : memref<!tpu.dma_semaphore, #tpu.memory_space<semaphore_mem>>)
      %dma_wait3A = tpu.memref_slice %arg9[%mul3A_21] : memref<6144xf32, #tpu.memory_space<vmem>> -> memref<192xf32, #tpu.memory_space<vmem>>
      %dma_wait3A_26 = tpu.memref_slice %arg5[%mul3A_21] : memref<6144xf32, #tpu.memory_space<hbm>> -> memref<192xf32, #tpu.memory_space<hbm>>
      %dma_wait3A_27 = tpu.memref_slice %arg5[%mul3A_21] : memref<6144xf32, #tpu.memory_space<hbm>> -> memref<192xf32, #tpu.memory_space<hbm>>
      %dma_wait3A_28 = tpu.memref_slice %arg9[%mul3A_21] : memref<6144xf32, #tpu.memory_space<vmem>> -> memref<192xf32, #tpu.memory_space<vmem>>
      tpu.wait_dma2 semaphore(%run_scoped3A_22 : memref<!tpu.dma_semaphore, #tpu.memory_space<semaphore_mem>>) src(%dma_wait3A_28 : memref<192xf32, #tpu.memory_space<vmem>>) dst(%dma_wait3A_27 : memref<192xf32, #tpu.memory_space<hbm>>)
      tpu.yield
    }) : () -> ()
    return
  }
}

module attributes {stable_mosaic.version = 14 : i64} {
  func.func @_route_body(%arg0: i32, %arg1: memref<256x768xf32, #tpu.memory_space<vmem>>, %arg2: memref<768x768xf32, #tpu.memory_space<vmem>>, %arg3: memref<768x8xf32, #tpu.memory_space<vmem>>, %arg4: memref<256x768xbf16, #tpu.memory_space<vmem>>, %arg5: memref<256x8xf32, #tpu.memory_space<vmem>>, %arg6: memref<256x8xf32, #tpu.memory_space<vmem>>, %arg7: memref<1x1xf32, #tpu.memory_space<vmem>>, %arg8: memref<1x1xf32, #tpu.memory_space<vmem>>, %arg9: memref<1x8xf32, #tpu.memory_space<vmem>>, %arg10: memref<1x8xi32, #tpu.memory_space<vmem>>, %arg11: memref<1x24xi32, #tpu.memory_space<vmem>>, %arg12: memref<2x256xi32, #tpu.memory_space<vmem>>, %arg13: memref<2x256xf32, #tpu.memory_space<vmem>>, %arg14: memref<1x8xf32, #tpu.memory_space<vmem>>, %arg15: memref<1x8xf32, #tpu.memory_space<vmem>>, %arg16: memref<1x8xf32, #tpu.memory_space<vmem>>, %arg17: memref<2048x8xf32, #tpu.memory_space<vmem>>, %arg18: memref<2048x8xf32, #tpu.memory_space<vmem>>) attributes {dimension_semantics = [#tpu.dimension_semantics<arbitrary>], iteration_bounds = array<i64: 16>, scalar_prefetch = 0 : i64, scratch_operands = 5 : i64, tpu.core_type = #tpu.core_type<tc>, window_params = [{transform_indices = @transform_0, window_bounds = array<i64: 256, 768>}, {pipeline_mode = #tpu.pipeline_mode<synchronous>, transform_indices = @transform_1, window_bounds = array<i64: 768, 768>}, {pipeline_mode = #tpu.pipeline_mode<synchronous>, transform_indices = @transform_2, window_bounds = array<i64: 768, 8>}, {transform_indices = @transform_3, window_bounds = array<i64: 256, 768>}, {transform_indices = @transform_4, window_bounds = array<i64: 256, 8>}, {transform_indices = @transform_5, window_bounds = array<i64: 256, 8>}, {pipeline_mode = #tpu.pipeline_mode<synchronous>, transform_indices = @transform_6, window_bounds = array<i64: 1, 1>}, {pipeline_mode = #tpu.pipeline_mode<synchronous>, transform_indices = @transform_7, window_bounds = array<i64: 1, 1>}, {pipeline_mode = #tpu.pipeline_mode<synchronous>, transform_indices = @transform_8, window_bounds = array<i64: 1, 8>}, {pipeline_mode = #tpu.pipeline_mode<synchronous>, transform_indices = @transform_9, window_bounds = array<i64: 1, 8>}, {pipeline_mode = #tpu.pipeline_mode<synchronous>, transform_indices = @transform_10, window_bounds = array<i64: 1, 24>}, {transform_indices = @transform_11, window_bounds = array<i64: 2, 256>}, {transform_indices = @transform_12, window_bounds = array<i64: 2, 256>}]} {
    %lt3A = arith.constant 8 : i32
    %lt3A_0 = arith.cmpi slt, %arg0, %lt3A : i32
    %convert_element_type3A = arith.extui %lt3A_0 : i1 to i32
    %cond3A = arith.constant 0 : i32
    %cond3A_1 = arith.cmpi ne, %convert_element_type3A, %cond3A : i32
    scf.if %cond3A_1 {
      %get3A = arith.constant 0 : index
      %get3A_10 = arith.constant 0 : index
      %get3A_11 = vector.load %arg1[%get3A, %get3A_10] : memref<256x768xf32, #tpu.memory_space<vmem>>, vector<256x768xf32>
      %get3A_12 = arith.constant 0 : index
      %get3A_13 = arith.constant 0 : index
      %get3A_14 = vector.load %arg2[%get3A_12, %get3A_13] : memref<768x768xf32, #tpu.memory_space<vmem>>, vector<768x768xf32>
      %dot_general3A = arith.constant dense<0.000000e+00> : vector<256x768xf32>
      %dot_general3A_15 = tpu.matmul %get3A_11, %get3A_14, %dot_general3A {dimension_numbers = #tpu.dot_dimension_numbers<[1], [0], [0], [1], [0, 0, 1, 1], [], []>, transpose_lhs_hint = false} : vector<256x768xf32>, vector<768x768xf32>, vector<256x768xf32> -> vector<256x768xf32>
      %tanh3A = math.tanh %dot_general3A_15 : vector<256x768xf32>
      %add3A = arith.addf %get3A_11, %tanh3A : vector<256x768xf32>
      %convert_element_type3A_16 = arith.truncf %add3A : vector<256x768xf32> to vector<256x768xbf16>
      %swap3A = arith.constant 0 : index
      %swap3A_17 = arith.constant 0 : index
      %swap3A_18 = vector.load %arg4[%swap3A, %swap3A_17] : memref<256x768xbf16, #tpu.memory_space<vmem>>, vector<256x768xbf16>
      tpu.vector_store %arg4[%swap3A, %swap3A_17], %convert_element_type3A_16 {strides = array<i32>} : memref<256x768xbf16, #tpu.memory_space<vmem>>, vector<256x768xbf16>,
      %get3A_19 = arith.constant 0 : index
      %get3A_20 = arith.constant 0 : index
      %get3A_21 = vector.load %arg3[%get3A_19, %get3A_20] : memref<768x8xf32, #tpu.memory_space<vmem>>, vector<768x8xf32>
      %dot_general3A_22 = arith.constant dense<0.000000e+00> : vector<256x8xf32>
      %dot_general3A_23 = tpu.matmul %add3A, %get3A_21, %dot_general3A_22 {dimension_numbers = #tpu.dot_dimension_numbers<[1], [0], [0], [1], [0, 0, 1, 1], [], []>, transpose_lhs_hint = false} : vector<256x768xf32>, vector<768x8xf32>, vector<256x8xf32> -> vector<256x8xf32>
      %swap3A_24 = arith.constant 0 : index
      %swap3A_25 = arith.constant 0 : index
      %swap3A_26 = vector.load %arg5[%swap3A_24, %swap3A_25] : memref<256x8xf32, #tpu.memory_space<vmem>>, vector<256x8xf32>
      tpu.vector_store %arg5[%swap3A_24, %swap3A_25], %dot_general3A_23 {strides = array<i32>} : memref<256x8xf32, #tpu.memory_space<vmem>>, vector<256x8xf32>,
      %reduce_max3A = arith.constant dense<0xFF800000> : vector<256xf32>
      %reduce_max3A_27 = vector.multi_reduction <maximumf>, %dot_general3A_23, %reduce_max3A [1] : vector<256x8xf32> to vector<256xf32>
      %broadcast_in_dim3A = vector.shape_cast %reduce_max3A_27 : vector<256xf32> to vector<256x1xf32>
      %sub3A = vector.broadcast %broadcast_in_dim3A : vector<256x1xf32> to vector<256x8xf32>
      %sub3A_28 = arith.subf %dot_general3A_23, %sub3A : vector<256x8xf32>
      %exp3A = math.exp %sub3A_28 : vector<256x8xf32>
      %reduce_sum3A = arith.constant dense<0.000000e+00> : vector<256xf32>
      %reduce_sum3A_29 = vector.multi_reduction <add>, %exp3A, %reduce_sum3A [1] : vector<256x8xf32> to vector<256xf32>
      %broadcast_in_dim3A_30 = vector.shape_cast %reduce_sum3A_29 : vector<256xf32> to vector<256x1xf32>
      %div3A = vector.broadcast %broadcast_in_dim3A_30 : vector<256x1xf32> to vector<256x8xf32>
      %div3A_31 = arith.divf %exp3A, %div3A : vector<256x8xf32>
      %swap3A_32 = arith.constant 0 : index
      %swap3A_33 = arith.constant 0 : index
      %swap3A_34 = vector.load %arg6[%swap3A_32, %swap3A_33] : memref<256x8xf32, #tpu.memory_space<vmem>>, vector<256x8xf32>
      tpu.vector_store %arg6[%swap3A_32, %swap3A_33], %div3A_31 {strides = array<i32>} : memref<256x8xf32, #tpu.memory_space<vmem>>, vector<256x8xf32>,
      %iota3A = tpu.iota {dimensions = array<i32: 1>} : vector<256x8xi32>
      %reduce_max3A_35 = arith.constant dense<0xFF800000> : vector<256xf32>
      %reduce_max3A_36 = vector.multi_reduction <maximumf>, %div3A_31, %reduce_max3A_35 [1] : vector<256x8xf32> to vector<256xf32>
      %broadcast_in_dim3A_37 = vector.shape_cast %reduce_max3A_36 : vector<256xf32> to vector<256x1xf32>
      %eq3A_38 = vector.broadcast %broadcast_in_dim3A_37 : vector<256x1xf32> to vector<256x8xf32>
      %eq3A_39 = arith.cmpf oeq, %div3A_31, %eq3A_38 : vector<256x8xf32>
      %jit3A = arith.constant 8 : i32
      %broadcast_in_dim3A_40 = vector.broadcast %jit3A : i32 to vector<256x8xi32>
      %select_n3A = arith.select %eq3A_39, %iota3A, %broadcast_in_dim3A_40 : vector<256x8xi1>, vector<256x8xi32>
      %reduce_min3A = arith.constant dense<2147483647> : vector<256xi32>
      %reduce_min3A_41 = vector.multi_reduction <minsi>, %select_n3A, %reduce_min3A [1] : vector<256x8xi32> to vector<256xi32>
      %broadcast_in_dim3A_42 = vector.shape_cast %reduce_min3A_41 : vector<256xi32> to vector<256x1xi32>
      %eq3A_43 = vector.broadcast %broadcast_in_dim3A_42 : vector<256x1xi32> to vector<256x8xi32>
      %eq3A_44 = arith.cmpi eq, %iota3A, %eq3A_43 : vector<256x8xi32>
      %jit3A_45 = arith.constant 0xFF800000 : f32
      %broadcast_in_dim3A_46 = vector.broadcast %jit3A_45 : f32 to vector<256x8xf32>
      %select_n3A_47 = arith.select %eq3A_44, %broadcast_in_dim3A_46, %div3A_31 : vector<256x8xi1>, vector<256x8xf32>
      %reduce_max3A_48 = arith.constant dense<0xFF800000> : vector<256xf32>
      %reduce_max3A_49 = vector.multi_reduction <maximumf>, %select_n3A_47, %reduce_max3A_48 [1] : vector<256x8xf32> to vector<256xf32>
      %broadcast_in_dim3A_50 = vector.shape_cast %reduce_max3A_49 : vector<256xf32> to vector<256x1xf32>
      %eq3A_51 = vector.broadcast %broadcast_in_dim3A_50 : vector<256x1xf32> to vector<256x8xf32>
      %eq3A_52 = arith.cmpf oeq, %select_n3A_47, %eq3A_51 : vector<256x8xf32>
      %jit3A_53 = arith.constant 8 : i32
      %broadcast_in_dim3A_54 = vector.broadcast %jit3A_53 : i32 to vector<256x8xi32>
      %select_n3A_55 = arith.select %eq3A_52, %iota3A, %broadcast_in_dim3A_54 : vector<256x8xi1>, vector<256x8xi32>
      %reduce_min3A_56 = arith.constant dense<2147483647> : vector<256xi32>
      %reduce_min3A_57 = vector.multi_reduction <minsi>, %select_n3A_55, %reduce_min3A_56 [1] : vector<256x8xi32> to vector<256xi32>
      %broadcast_in_dim3A_58 = vector.shape_cast %reduce_min3A_57 : vector<256xi32> to vector<256x1xi32>
      %eq3A_59 = vector.broadcast %broadcast_in_dim3A_58 : vector<256x1xi32> to vector<256x8xi32>
      %eq3A_60 = arith.cmpi eq, %iota3A, %eq3A_59 : vector<256x8xi32>
      %convert_element_type3A_61 = arith.extui %eq3A_44 : vector<256x8xi1> to vector<256x8xi32>
      %convert_element_type3A_62 = arith.sitofp %convert_element_type3A_61 : vector<256x8xi32> to vector<256x8xf32>
      %convert_element_type3A_63 = arith.extui %eq3A_60 : vector<256x8xi1> to vector<256x8xi32>
      %convert_element_type3A_64 = arith.sitofp %convert_element_type3A_63 : vector<256x8xi32> to vector<256x8xf32>
      %mul3A = arith.constant 256 : i32
      %mul3A_65 = arith.muli %arg0, %mul3A : i32
      %swap3A_66 = arith.index_cast %mul3A_65 : i32 to index
      %swap3A_67 = arith.constant 0 : index
      %swap3A_68 = vector.load %arg17[%swap3A_66, %swap3A_67] : memref<2048x8xf32, #tpu.memory_space<vmem>>, vector<256x8xf32>
      tpu.vector_store %arg17[%swap3A_66, %swap3A_67], %convert_element_type3A_62 {strides = array<i32>} : memref<2048x8xf32, #tpu.memory_space<vmem>>, vector<256x8xf32>,
      %mul3A_69 = arith.constant 256 : i32
      %mul3A_70 = arith.muli %arg0, %mul3A_69 : i32
      %swap3A_71 = arith.index_cast %mul3A_70 : i32 to index
      %swap3A_72 = arith.constant 0 : index
      %swap3A_73 = vector.load %arg18[%swap3A_71, %swap3A_72] : memref<2048x8xf32, #tpu.memory_space<vmem>>, vector<256x8xf32>
      tpu.vector_store %arg18[%swap3A_71, %swap3A_72], %convert_element_type3A_64 {strides = array<i32>} : memref<2048x8xf32, #tpu.memory_space<vmem>>, vector<256x8xf32>,
      %add3A_74 = arith.addf %convert_element_type3A_62, %convert_element_type3A_64 : vector<256x8xf32>
      %reduce_sum3A_75 = arith.constant dense<0.000000e+00> : vector<8xf32>
      %reduce_sum3A_76 = vector.multi_reduction <add>, %add3A_74, %reduce_sum3A_75 [0] : vector<256x8xf32> to vector<8xf32>
      %broadcast_in_dim3A_77 = vector.shape_cast %reduce_sum3A_76 : vector<8xf32> to vector<1x8xf32>
      %add3A_78 = arith.addf %broadcast_in_dim3A_37, %broadcast_in_dim3A_50 : vector<256x1xf32>
      %div3A_79 = arith.divf %broadcast_in_dim3A_37, %add3A_78 : vector<256x1xf32>
      %reshape3A = vector.shape_cast %div3A_79 : vector<256x1xf32> to vector<1x256xf32>
      %div3A_80 = arith.divf %broadcast_in_dim3A_50, %add3A_78 : vector<256x1xf32>
      %reshape3A_81 = vector.shape_cast %div3A_80 : vector<256x1xf32> to vector<1x256xf32>
      %concatenate3A = tpu.concatenate %reshape3A, %reshape3A_81 in 0 : vector<1x256xf32>, vector<1x256xf32> -> vector<2x256xf32>
      %swap3A_82 = arith.constant 0 : index
      %swap3A_83 = arith.constant 0 : index
      %swap3A_84 = vector.load %arg13[%swap3A_82, %swap3A_83] : memref<2x256xf32, #tpu.memory_space<vmem>>, vector<2x256xf32>
      tpu.vector_store %arg13[%swap3A_82, %swap3A_83], %concatenate3A {strides = array<i32>} : memref<2x256xf32, #tpu.memory_space<vmem>>, vector<2x256xf32>,
      %squeeze3A = vector.shape_cast %broadcast_in_dim3A_30 : vector<256x1xf32> to vector<256xf32>
      %log3A = math.log %squeeze3A : vector<256xf32>
      %squeeze3A_85 = vector.shape_cast %broadcast_in_dim3A : vector<256x1xf32> to vector<256xf32>
      %add3A_86 = arith.addf %log3A, %squeeze3A_85 : vector<256xf32>
      %mul3A_87 = arith.mulf %add3A_86, %add3A_86 : vector<256xf32>
      %reduce_sum3A_88 = vector.shape_cast %mul3A_87 : vector<256xf32> to vector<1x256xf32>
      %reduce_sum3A_89 = arith.constant dense<0.000000e+00> : vector<1xf32>
      %reduce_sum3A_90 = vector.multi_reduction <add>, %reduce_sum3A_88, %reduce_sum3A_89 [1] : vector<1x256xf32> to vector<1xf32>
      %reduce_sum3A_91 = vector.shape_cast %reduce_sum3A_90 : vector<1xf32> to vector<1x1xf32>
      %reduce_sum3A_92 = vector.extract %reduce_sum3A_91[0, 0] : f32 from vector<1x1xf32>
      %reshape3A_93 = vector.broadcast %reduce_sum3A_92 : f32 to vector<1x1xf32>
      %reduce_sum3A_94 = arith.constant dense<0.000000e+00> : vector<8xf32>
      %reduce_sum3A_95 = vector.multi_reduction <add>, %div3A_31, %reduce_sum3A_94 [0] : vector<256x8xf32> to vector<8xf32>
      %broadcast_in_dim3A_96 = vector.shape_cast %reduce_sum3A_95 : vector<8xf32> to vector<1x8xf32>
      %eq3A_97 = arith.constant 0 : i32
      %eq3A_98 = arith.cmpi eq, %arg0, %eq3A_97 : i32
      %convert_element_type3A_99 = arith.extui %eq3A_98 : i1 to i32
      %cond3A_100 = arith.constant 0 : i32
      %cond3A_101 = arith.cmpi ne, %convert_element_type3A_99, %cond3A_100 : i32
      scf.if %cond3A_101 {
        %swap3A_111 = arith.constant 0 : index
        %swap3A_112 = arith.constant 0 : index
        %swap3A_113 = vector.load %arg7[%swap3A_111, %swap3A_112] : memref<1x1xf32, #tpu.memory_space<vmem>>, vector<1x1xf32>
        tpu.vector_store %arg7[%swap3A_111, %swap3A_112], %reshape3A_93 {strides = array<i32>} : memref<1x1xf32, #tpu.memory_space<vmem>>, vector<1x1xf32>,
        %swap3A_114 = arith.constant 0 : index
        %swap3A_115 = arith.constant 0 : index
        %swap3A_116 = vector.load %arg9[%swap3A_114, %swap3A_115] : memref<1x8xf32, #tpu.memory_space<vmem>>, vector<1x8xf32>
        tpu.vector_store %arg9[%swap3A_114, %swap3A_115], %broadcast_in_dim3A_96 {strides = array<i32>} : memref<1x8xf32, #tpu.memory_space<vmem>>, vector<1x8xf32>,
        %swap3A_117 = arith.constant 0 : index
        %swap3A_118 = arith.constant 0 : index
        %swap3A_119 = vector.load %arg14[%swap3A_117, %swap3A_118] : memref<1x8xf32, #tpu.memory_space<vmem>>, vector<1x8xf32>
        tpu.vector_store %arg14[%swap3A_117, %swap3A_118], %broadcast_in_dim3A_77 {strides = array<i32>} : memref<1x8xf32, #tpu.memory_space<vmem>>, vector<1x8xf32>,
      } else {
      }
      %gt3A = arith.constant 0 : i32
      %gt3A_102 = arith.cmpi sgt, %arg0, %gt3A : i32
      %convert_element_type3A_103 = arith.extui %gt3A_102 : i1 to i32
      %cond3A_104 = arith.constant 0 : i32
      %cond3A_105 = arith.cmpi ne, %convert_element_type3A_103, %cond3A_104 : i32
      scf.if %cond3A_105 {
        %get3A_111 = arith.constant 0 : index
        %get3A_112 = arith.constant 0 : index
        %get3A_113 = vector.load %arg7[%get3A_111, %get3A_112] : memref<1x1xf32, #tpu.memory_space<vmem>>, vector<1x1xf32>
        %add3A_114 = arith.addf %get3A_113, %reshape3A_93 : vector<1x1xf32>
        %swap3A_115 = arith.constant 0 : index
        %swap3A_116 = arith.constant 0 : index
        %swap3A_117 = vector.load %arg7[%swap3A_115, %swap3A_116] : memref<1x1xf32, #tpu.memory_space<vmem>>, vector<1x1xf32>
        tpu.vector_store %arg7[%swap3A_115, %swap3A_116], %add3A_114 {strides = array<i32>} : memref<1x1xf32, #tpu.memory_space<vmem>>, vector<1x1xf32>,
        %get3A_118 = arith.constant 0 : index
        %get3A_119 = arith.constant 0 : index
        %get3A_120 = vector.load %arg9[%get3A_118, %get3A_119] : memref<1x8xf32, #tpu.memory_space<vmem>>, vector<1x8xf32>
        %add3A_121 = arith.addf %get3A_120, %broadcast_in_dim3A_96 : vector<1x8xf32>
        %swap3A_122 = arith.constant 0 : index
        %swap3A_123 = arith.constant 0 : index
        %swap3A_124 = vector.load %arg9[%swap3A_122, %swap3A_123] : memref<1x8xf32, #tpu.memory_space<vmem>>, vector<1x8xf32>
        tpu.vector_store %arg9[%swap3A_122, %swap3A_123], %add3A_121 {strides = array<i32>} : memref<1x8xf32, #tpu.memory_space<vmem>>, vector<1x8xf32>,
        %get3A_125 = arith.constant 0 : index
        %get3A_126 = arith.constant 0 : index
        %get3A_127 = vector.load %arg14[%get3A_125, %get3A_126] : memref<1x8xf32, #tpu.memory_space<vmem>>, vector<1x8xf32>
        %add3A_128 = arith.addf %get3A_127, %broadcast_in_dim3A_77 : vector<1x8xf32>
        %swap3A_129 = arith.constant 0 : index
        %swap3A_130 = arith.constant 0 : index
        %swap3A_131 = vector.load %arg14[%swap3A_129, %swap3A_130] : memref<1x8xf32, #tpu.memory_space<vmem>>, vector<1x8xf32>
        tpu.vector_store %arg14[%swap3A_129, %swap3A_130], %add3A_128 {strides = array<i32>} : memref<1x8xf32, #tpu.memory_space<vmem>>, vector<1x8xf32>,
      } else {
      }
      %eq3A_106 = arith.constant 7 : i32
      %eq3A_107 = arith.cmpi eq, %arg0, %eq3A_106 : i32
      %convert_element_type3A_108 = arith.extui %eq3A_107 : i1 to i32
      %cond3A_109 = arith.constant 0 : i32
      %cond3A_110 = arith.cmpi ne, %convert_element_type3A_108, %cond3A_109 : i32
      scf.if %cond3A_110 {
        %get3A_111 = arith.constant 0 : index
        %get3A_112 = arith.constant 0 : index
        %get3A_113 = vector.load %arg14[%get3A_111, %get3A_112] : memref<1x8xf32, #tpu.memory_space<vmem>>, vector<1x8xf32>
        %convert_element_type3A_114 = arith.fptosi %get3A_113 : vector<1x8xf32> to vector<1x8xi32>
        %swap3A_115 = arith.constant 0 : index
        %swap3A_116 = arith.constant 0 : index
        %swap3A_117 = vector.load %arg10[%swap3A_115, %swap3A_116] : memref<1x8xi32, #tpu.memory_space<vmem>>, vector<1x8xi32>
        tpu.vector_store %arg10[%swap3A_115, %swap3A_116], %convert_element_type3A_114 {strides = array<i32>} : memref<1x8xi32, #tpu.memory_space<vmem>>, vector<1x8xi32>,
        %get3A_118 = arith.constant 0 : index
        %get3A_119 = arith.constant 0 : index
        %get3A_120 = vector.load %arg7[%get3A_118, %get3A_119] : memref<1x1xf32, #tpu.memory_space<vmem>>, vector<1x1xf32>
        %div3A_121 = arith.constant 2.048000e+03 : f32
        %div3A_122 = vector.broadcast %div3A_121 : f32 to vector<1x1xf32>
        %div3A_123 = arith.divf %get3A_120, %div3A_122 : vector<1x1xf32>
        %swap3A_124 = arith.constant 0 : index
        %swap3A_125 = arith.constant 0 : index
        %swap3A_126 = vector.load %arg7[%swap3A_124, %swap3A_125] : memref<1x1xf32, #tpu.memory_space<vmem>>, vector<1x1xf32>
        tpu.vector_store %arg7[%swap3A_124, %swap3A_125], %div3A_123 {strides = array<i32>} : memref<1x1xf32, #tpu.memory_space<vmem>>, vector<1x1xf32>,
        %get3A_127 = arith.constant 0 : index
        %get3A_128 = arith.constant 0 : index
        %get3A_129 = vector.load %arg9[%get3A_127, %get3A_128] : memref<1x8xf32, #tpu.memory_space<vmem>>, vector<1x8xf32>
        %div3A_130 = arith.constant 2.048000e+03 : f32
        %div3A_131 = vector.broadcast %div3A_130 : f32 to vector<1x8xf32>
        %div3A_132 = arith.divf %get3A_129, %div3A_131 : vector<1x8xf32>
        %swap3A_133 = arith.constant 0 : index
        %swap3A_134 = arith.constant 0 : index
        %swap3A_135 = vector.load %arg9[%swap3A_133, %swap3A_134] : memref<1x8xf32, #tpu.memory_space<vmem>>, vector<1x8xf32>
        tpu.vector_store %arg9[%swap3A_133, %swap3A_134], %div3A_132 {strides = array<i32>} : memref<1x8xf32, #tpu.memory_space<vmem>>, vector<1x8xf32>,
        %div3A_136 = arith.constant 4.096000e+03 : f32
        %div3A_137 = vector.broadcast %div3A_136 : f32 to vector<1x8xf32>
        %div3A_138 = arith.divf %get3A_113, %div3A_137 : vector<1x8xf32>
        %mul3A_139 = arith.mulf %div3A_138, %div3A_132 : vector<1x8xf32>
        %reduce_sum3A_140 = vector.shape_cast %mul3A_139 : vector<1x8xf32> to vector<1x1x8xf32>
        %reduce_sum3A_141 = arith.constant dense<0.000000e+00> : vector<1xf32>
        %reduce_sum3A_142 = vector.multi_reduction <add>, %reduce_sum3A_140, %reduce_sum3A_141 [1, 2] : vector<1x1x8xf32> to vector<1xf32>
        %reduce_sum3A_143 = vector.shape_cast %reduce_sum3A_142 : vector<1xf32> to vector<1x1x1xf32>
        %reduce_sum3A_144 = vector.extract %reduce_sum3A_143[0, 0, 0] : f32 from vector<1x1x1xf32>
        %mul3A_145 = arith.constant 8.000000e+00 : f32
        %mul3A_146 = arith.mulf %mul3A_145, %reduce_sum3A_144 : f32
        %reshape3A_147 = vector.broadcast %mul3A_146 : f32 to vector<1x1xf32>
        %swap3A_148 = arith.constant 0 : index
        %swap3A_149 = arith.constant 0 : index
        %swap3A_150 = vector.load %arg8[%swap3A_148, %swap3A_149] : memref<1x1xf32, #tpu.memory_space<vmem>>, vector<1x1xf32>
        tpu.vector_store %arg8[%swap3A_148, %swap3A_149], %reshape3A_147 {strides = array<i32>} : memref<1x1xf32, #tpu.memory_space<vmem>>, vector<1x1xf32>,
        %add3A_151 = arith.constant 2.550000e+02 : f32
        %add3A_152 = vector.broadcast %add3A_151 : f32 to vector<1x8xf32>
        %add3A_153 = arith.addf %get3A_113, %add3A_152 : vector<1x8xf32>
        %mul3A_154 = arith.constant 3.906250e-03 : f32
        %mul3A_155 = vector.broadcast %mul3A_154 : f32 to vector<1x8xf32>
        %mul3A_156 = arith.mulf %add3A_153, %mul3A_155 : vector<1x8xf32>
        %floor3A = math.floor %mul3A_156 : vector<1x8xf32>
        %iota3A_157 = tpu.iota {dimensions = array<i32: 0>} : vector<8x8xi32>
        %iota3A_158 = tpu.iota {dimensions = array<i32: 1>} : vector<8x8xi32>
        %lt3A_159 = arith.cmpi slt, %iota3A_157, %iota3A_158 : vector<8x8xi32>
        %convert_element_type3A_160 = arith.extui %lt3A_159 : vector<8x8xi1> to vector<8x8xi32>
        %convert_element_type3A_161 = arith.sitofp %convert_element_type3A_160 : vector<8x8xi32> to vector<8x8xf32>
        %dot_general3A_162 = arith.constant dense<0.000000e+00> : vector<1x8xf32>
        %dot_general3A_163 = tpu.matmul %floor3A, %convert_element_type3A_161, %dot_general3A_162 {dimension_numbers = #tpu.dot_dimension_numbers<[1], [0], [0], [1], [0, 0, 1, 1], [], []>, transpose_lhs_hint = false} : vector<1x8xf32>, vector<8x8xf32>, vector<1x8xf32> -> vector<1x8xf32>
        %mul3A_164 = arith.constant 2.560000e+02 : f32
        %mul3A_165 = vector.broadcast %mul3A_164 : f32 to vector<1x8xf32>
        %mul3A_166 = arith.mulf %dot_general3A_163, %mul3A_165 : vector<1x8xf32>
        %swap3A_167 = arith.constant 0 : index
        %swap3A_168 = arith.constant 0 : index
        %swap3A_169 = vector.load %arg16[%swap3A_167, %swap3A_168] : memref<1x8xf32, #tpu.memory_space<vmem>>, vector<1x8xf32>
        tpu.vector_store %arg16[%swap3A_167, %swap3A_168], %mul3A_166 {strides = array<i32>} : memref<1x8xf32, #tpu.memory_space<vmem>>, vector<1x8xf32>,
        %mul3A_170 = arith.constant 2.560000e+02 : f32
        %mul3A_171 = vector.broadcast %mul3A_170 : f32 to vector<1x8xf32>
        %mul3A_172 = arith.mulf %floor3A, %mul3A_171 : vector<1x8xf32>
        %add3A_173 = arith.addf %mul3A_166, %mul3A_172 : vector<1x8xf32>
        %mul3A_174 = arith.constant 3.906250e-03 : f32
        %mul3A_175 = vector.broadcast %mul3A_174 : f32 to vector<1x8xf32>
        %mul3A_176 = arith.mulf %add3A_173, %mul3A_175 : vector<1x8xf32>
        %convert_element_type3A_177 = arith.fptosi %mul3A_176 : vector<1x8xf32> to vector<1x8xi32>
        %iota3A_178 = tpu.iota {dimensions = array<i32: 0>} : vector<24x8xi32>
        %broadcast_in_dim3A_179 = vector.shape_cast %convert_element_type3A_177 : vector<1x8xi32> to vector<1x8xi32>
        %broadcast_in_dim3A_180 = vector.broadcast %broadcast_in_dim3A_179 : vector<1x8xi32> to vector<24x8xi32>
        %ge3A_181 = arith.cmpi sge, %iota3A_178, %broadcast_in_dim3A_180 : vector<24x8xi32>
        %convert_element_type3A_182 = arith.extui %ge3A_181 : vector<24x8xi1> to vector<24x8xi32>
        %reduce_sum3A_183 = arith.constant dense<0> : vector<24xi32>
        %reduce_sum3A_184 = vector.multi_reduction <add>, %convert_element_type3A_182, %reduce_sum3A_183 [1] : vector<24x8xi32> to vector<24xi32>
        %reshape3A_185 = vector.shape_cast %reduce_sum3A_184 : vector<24xi32> to vector<1x24xi32>
        %min3A = arith.constant 7 : i32
        %min3A_186 = vector.broadcast %min3A : i32 to vector<1x24xi32>
        %min3A_187 = arith.minsi %reshape3A_185, %min3A_186 : vector<1x24xi32>
        %swap3A_188 = arith.constant 0 : index
        %swap3A_189 = arith.constant 0 : index
        %swap3A_190 = vector.load %arg11[%swap3A_188, %swap3A_189] : memref<1x24xi32, #tpu.memory_space<vmem>>, vector<1x24xi32>
        tpu.vector_store %arg11[%swap3A_188, %swap3A_189], %min3A_187 {strides = array<i32>} : memref<1x24xi32, #tpu.memory_space<vmem>>, vector<1x24xi32>,
      } else {
      }
    } else {
    }
    %eq3A = arith.constant 8 : i32
    %eq3A_2 = arith.cmpi eq, %arg0, %eq3A : i32
    %convert_element_type3A_3 = arith.extui %eq3A_2 : i1 to i32
    %cond3A_4 = arith.constant 0 : i32
    %cond3A_5 = arith.cmpi ne, %convert_element_type3A_3, %cond3A_4 : i32
    scf.if %cond3A_5 {
      %broadcast_in_dim3A = arith.constant 0.000000e+00 : f32
      %broadcast_in_dim3A_10 = vector.broadcast %broadcast_in_dim3A : f32 to vector<1x8xf32>
      %swap3A = arith.constant 0 : index
      %swap3A_11 = arith.constant 0 : index
      %swap3A_12 = vector.load %arg15[%swap3A, %swap3A_11] : memref<1x8xf32, #tpu.memory_space<vmem>>, vector<1x8xf32>
      tpu.vector_store %arg15[%swap3A, %swap3A_11], %broadcast_in_dim3A_10 {strides = array<i32>} : memref<1x8xf32, #tpu.memory_space<vmem>>, vector<1x8xf32>,
    } else {
    }
    %ge3A = arith.constant 8 : i32
    %ge3A_6 = arith.cmpi sge, %arg0, %ge3A : i32
    %convert_element_type3A_7 = arith.extui %ge3A_6 : i1 to i32
    %cond3A_8 = arith.constant 0 : i32
    %cond3A_9 = arith.cmpi ne, %convert_element_type3A_7, %cond3A_8 : i32
    scf.if %cond3A_9 {
      %sub3A = arith.constant 8 : i32
      %sub3A_10 = arith.subi %arg0, %sub3A : i32
      %mul3A = arith.constant 256 : i32
      %mul3A_11 = arith.muli %sub3A_10, %mul3A : i32
      %get3A = arith.index_cast %mul3A_11 : i32 to index
      %get3A_12 = arith.constant 0 : index
      %get3A_13 = vector.load %arg17[%get3A, %get3A_12] : memref<2048x8xf32, #tpu.memory_space<vmem>>, vector<256x8xf32>
      %mul3A_14 = arith.constant 256 : i32
      %mul3A_15 = arith.muli %sub3A_10, %mul3A_14 : i32
      %get3A_16 = arith.index_cast %mul3A_15 : i32 to index
      %get3A_17 = arith.constant 0 : index
      %get3A_18 = vector.load %arg18[%get3A_16, %get3A_17] : memref<2048x8xf32, #tpu.memory_space<vmem>>, vector<256x8xf32>
      %add3A = arith.addf %get3A_13, %get3A_18 : vector<256x8xf32>
      %iota3A = tpu.iota {dimensions = array<i32: 0>} : vector<256x256xi32>
      %iota3A_19 = tpu.iota {dimensions = array<i32: 1>} : vector<256x256xi32>
      %lt3A_20 = arith.cmpi slt, %iota3A_19, %iota3A : vector<256x256xi32>
      %convert_element_type3A_21 = arith.extui %lt3A_20 : vector<256x256xi1> to vector<256x256xi32>
      %convert_element_type3A_22 = arith.sitofp %convert_element_type3A_21 : vector<256x256xi32> to vector<256x256xf32>
      %dot_general3A = arith.constant dense<0.000000e+00> : vector<256x8xf32>
      %dot_general3A_23 = tpu.matmul %convert_element_type3A_22, %add3A, %dot_general3A {dimension_numbers = #tpu.dot_dimension_numbers<[1], [0], [0], [1], [0, 0, 1, 1], [], []>, transpose_lhs_hint = false} : vector<256x256xf32>, vector<256x8xf32>, vector<256x8xf32> -> vector<256x8xf32>
      %get3A_24 = arith.constant 0 : index
      %get3A_25 = arith.constant 0 : index
      %get3A_26 = vector.load %arg16[%get3A_24, %get3A_25] : memref<1x8xf32, #tpu.memory_space<vmem>>, vector<1x8xf32>
      %get3A_27 = arith.constant 0 : index
      %get3A_28 = arith.constant 0 : index
      %get3A_29 = vector.load %arg15[%get3A_27, %get3A_28] : memref<1x8xf32, #tpu.memory_space<vmem>>, vector<1x8xf32>
      %add3A_30 = arith.addf %get3A_26, %get3A_29 : vector<1x8xf32>
      %add3A_31 = vector.broadcast %add3A_30 : vector<1x8xf32> to vector<256x8xf32>
      %add3A_32 = arith.addf %add3A_31, %dot_general3A_23 : vector<256x8xf32>
      %mul3A_33 = arith.mulf %get3A_13, %add3A_32 : vector<256x8xf32>
      %reduce_sum3A = arith.constant dense<0.000000e+00> : vector<256xf32>
      %reduce_sum3A_34 = vector.multi_reduction <add>, %mul3A_33, %reduce_sum3A [1] : vector<256x8xf32> to vector<256xf32>
      %mul3A_35 = arith.mulf %get3A_18, %add3A_32 : vector<256x8xf32>
      %reduce_sum3A_36 = arith.constant dense<0.000000e+00> : vector<256xf32>
      %reduce_sum3A_37 = vector.multi_reduction <add>, %mul3A_35, %reduce_sum3A_36 [1] : vector<256x8xf32> to vector<256xf32>
      %reshape3A = vector.shape_cast %reduce_sum3A_34 : vector<256xf32> to vector<1x256xf32>
      %reshape3A_38 = vector.shape_cast %reduce_sum3A_37 : vector<256xf32> to vector<1x256xf32>
      %concatenate3A = tpu.concatenate %reshape3A, %reshape3A_38 in 0 : vector<1x256xf32>, vector<1x256xf32> -> vector<2x256xf32>
      %convert_element_type3A_39 = arith.fptosi %concatenate3A : vector<2x256xf32> to vector<2x256xi32>
      %swap3A = arith.constant 0 : index
      %swap3A_40 = arith.constant 0 : index
      %swap3A_41 = vector.load %arg12[%swap3A, %swap3A_40] : memref<2x256xi32, #tpu.memory_space<vmem>>, vector<2x256xi32>
      tpu.vector_store %arg12[%swap3A, %swap3A_40], %convert_element_type3A_39 {strides = array<i32>} : memref<2x256xi32, #tpu.memory_space<vmem>>, vector<2x256xi32>,
      %get3A_42 = arith.constant 0 : index
      %get3A_43 = arith.constant 0 : index
      %get3A_44 = vector.load %arg15[%get3A_42, %get3A_43] : memref<1x8xf32, #tpu.memory_space<vmem>>, vector<1x8xf32>
      %reduce_sum3A_45 = arith.constant dense<0.000000e+00> : vector<8xf32>
      %reduce_sum3A_46 = vector.multi_reduction <add>, %add3A, %reduce_sum3A_45 [0] : vector<256x8xf32> to vector<8xf32>
      %broadcast_in_dim3A = vector.shape_cast %reduce_sum3A_46 : vector<8xf32> to vector<1x8xf32>
      %add3A_47 = arith.addf %get3A_44, %broadcast_in_dim3A : vector<1x8xf32>
      %swap3A_48 = arith.constant 0 : index
      %swap3A_49 = arith.constant 0 : index
      %swap3A_50 = vector.load %arg15[%swap3A_48, %swap3A_49] : memref<1x8xf32, #tpu.memory_space<vmem>>, vector<1x8xf32>
      tpu.vector_store %arg15[%swap3A_48, %swap3A_49], %add3A_47 {strides = array<i32>} : memref<1x8xf32, #tpu.memory_space<vmem>>, vector<1x8xf32>,
    } else {
    }
    return
  }
  func.func @transform_0(%arg0: i32) -> (i32, i32) {
    %min3A = arith.constant 7 : i32
    %min3A_0 = arith.minsi %arg0, %min3A : i32
    %c0_i32 = arith.constant 0 : i32
    %c0_i32_1 = arith.constant 0 : i32
    return %min3A_0, %c0_i32 : i32, i32
  }
  func.func @transform_1(%arg0: i32) -> (i32, i32) {
    %c0_i32 = arith.constant 0 : i32
    %c0_i32_0 = arith.constant 0 : i32
    %c0_i32_1 = arith.constant 0 : i32
    return %c0_i32, %c0_i32_0 : i32, i32
  }
  func.func @transform_2(%arg0: i32) -> (i32, i32) {
    %c0_i32 = arith.constant 0 : i32
    %c0_i32_0 = arith.constant 0 : i32
    %c0_i32_1 = arith.constant 0 : i32
    return %c0_i32, %c0_i32_0 : i32, i32
  }
  func.func @transform_3(%arg0: i32) -> (i32, i32) {
    %min3A = arith.constant 8 : i32
    %min3A_0 = arith.minsi %arg0, %min3A : i32
    %c0_i32 = arith.constant 0 : i32
    %c0_i32_1 = arith.constant 0 : i32
    return %min3A_0, %c0_i32 : i32, i32
  }
  func.func @transform_4(%arg0: i32) -> (i32, i32) {
    %min3A = arith.constant 8 : i32
    %min3A_0 = arith.minsi %arg0, %min3A : i32
    %c0_i32 = arith.constant 0 : i32
    %c0_i32_1 = arith.constant 0 : i32
    return %min3A_0, %c0_i32 : i32, i32
  }
  func.func @transform_5(%arg0: i32) -> (i32, i32) {
    %min3A = arith.constant 8 : i32
    %min3A_0 = arith.minsi %arg0, %min3A : i32
    %c0_i32 = arith.constant 0 : i32
    %c0_i32_1 = arith.constant 0 : i32
    return %min3A_0, %c0_i32 : i32, i32
  }
  func.func @transform_6(%arg0: i32) -> (i32, i32) {
    %c0_i32 = arith.constant 0 : i32
    %c0_i32_0 = arith.constant 0 : i32
    %c0_i32_1 = arith.constant 0 : i32
    return %c0_i32, %c0_i32_0 : i32, i32
  }
  func.func @transform_7(%arg0: i32) -> (i32, i32) {
    %c0_i32 = arith.constant 0 : i32
    %c0_i32_0 = arith.constant 0 : i32
    %c0_i32_1 = arith.constant 0 : i32
    return %c0_i32, %c0_i32_0 : i32, i32
  }
  func.func @transform_8(%arg0: i32) -> (i32, i32) {
    %c0_i32 = arith.constant 0 : i32
    %c0_i32_0 = arith.constant 0 : i32
    %c0_i32_1 = arith.constant 0 : i32
    return %c0_i32, %c0_i32_0 : i32, i32
  }
  func.func @transform_9(%arg0: i32) -> (i32, i32) {
    %c0_i32 = arith.constant 0 : i32
    %c0_i32_0 = arith.constant 0 : i32
    %c0_i32_1 = arith.constant 0 : i32
    return %c0_i32, %c0_i32_0 : i32, i32
  }
  func.func @transform_10(%arg0: i32) -> (i32, i32) {
    %c0_i32 = arith.constant 0 : i32
    %c0_i32_0 = arith.constant 0 : i32
    %c0_i32_1 = arith.constant 0 : i32
    return %c0_i32, %c0_i32_0 : i32, i32
  }
  func.func @transform_11(%arg0: i32) -> (i32, i32) {
    %lt3A = arith.constant 8 : i32
    %lt3A_0 = arith.cmpi slt, %arg0, %lt3A : i32
    %sub3A = arith.constant 8 : i32
    %sub3A_1 = arith.subi %arg0, %sub3A : i32
    %jit3A = arith.constant 8 : i32
    %select_n3A = arith.select %lt3A_0, %jit3A, %sub3A_1 : i32
    %c0_i32 = arith.constant 0 : i32
    %c0_i32_2 = arith.constant 0 : i32
    return %c0_i32, %select_n3A : i32, i32
  }
  func.func @transform_12(%arg0: i32) -> (i32, i32) {
    %min3A = arith.constant 8 : i32
    %min3A_0 = arith.minsi %arg0, %min3A : i32
    %c0_i32 = arith.constant 0 : i32
    %c0_i32_1 = arith.constant 0 : i32
    return %c0_i32, %min3A_0 : i32, i32
  }
}

module attributes {stable_mosaic.version = 14 : i64} {
  func.func @_ffn_body(%arg0: i32, %arg1: memref<24xi32, #tpu.memory_space<smem>>, %arg2: memref<1x1x256xi32, #tpu.memory_space<vmem>>, %arg3: memref<2304x768xbf16, #tpu.memory_space<vmem>>, %arg4: memref<1x768x2048xbf16, #tpu.memory_space<vmem>>, %arg5: memref<1x1x2048xf32, #tpu.memory_space<vmem>>, %arg6: memref<1x2048x768xbf16, #tpu.memory_space<vmem>>, %arg7: memref<1x1x768xf32, #tpu.memory_space<vmem>>, %arg8: memref<1x1x256xf32, #tpu.memory_space<vmem>>, %arg9: memref<2048x768xf32, #tpu.memory_space<vmem>>) attributes {dimension_semantics = [#tpu.dimension_semantics<arbitrary>], iteration_bounds = array<i64: 24>, scalar_prefetch = 1 : i64, scratch_operands = 0 : i64, tpu.core_type = #tpu.core_type<tc>, window_params = [{transform_indices = @transform_0, window_bounds = array<i64: 1, 1, 256>}, {pipeline_mode = #tpu.pipeline_mode<synchronous>, transform_indices = @transform_1, window_bounds = array<i64: 2304, 768>}, {transform_indices = @transform_2, window_bounds = array<i64: 1, 768, 2048>}, {transform_indices = @transform_3, window_bounds = array<i64: 1, 1, 2048>}, {transform_indices = @transform_4, window_bounds = array<i64: 1, 2048, 768>}, {transform_indices = @transform_5, window_bounds = array<i64: 1, 1, 768>}, {transform_indices = @transform_6, window_bounds = array<i64: 1, 1, 256>}, {pipeline_mode = #tpu.pipeline_mode<synchronous>, transform_indices = @transform_7, window_bounds = array<i64: 2048, 768>}]} {
    %get3A = arith.constant 0 : index
    %get3A_0 = arith.constant 0 : index
    %get3A_1 = arith.constant 0 : index
    %get3A_2 = vector.load %arg2[%get3A, %get3A_0, %get3A_1] : memref<1x1x256xi32, #tpu.memory_space<vmem>>, vector<1x1x256xi32>
    %get3A_3 = vector.shape_cast %get3A_2 : vector<1x1x256xi32> to vector<256xi32>
    %reshape3A = vector.shape_cast %get3A_3 : vector<256xi32> to vector<256x1xi32>
    %iota3A = tpu.iota {dimensions = array<i32: 1>} : vector<256x2048xi32>
    %broadcast_in_dim3A = vector.shape_cast %reshape3A : vector<256x1xi32> to vector<256x1xi32>
    %broadcast_in_dim3A_4 = vector.broadcast %broadcast_in_dim3A : vector<256x1xi32> to vector<256x2048xi32>
    %eq3A = arith.cmpi eq, %iota3A, %broadcast_in_dim3A_4 : vector<256x2048xi32>
    %convert_element_type3A = arith.extui %eq3A : vector<256x2048xi1> to vector<256x2048xi32>
    %convert_element_type3A_5 = arith.sitofp %convert_element_type3A : vector<256x2048xi32> to vector<256x2048xf32>
    %convert_element_type3A_6 = arith.truncf %convert_element_type3A_5 : vector<256x2048xf32> to vector<256x2048xbf16>
    %get3A_7 = arith.constant 0 : index
    %get3A_8 = arith.constant 0 : index
    %get3A_9 = vector.load %arg3[%get3A_7, %get3A_8] : memref<2304x768xbf16, #tpu.memory_space<vmem>>, vector<2048x768xbf16>
    %dot_general3A = arith.constant dense<0.000000e+00> : vector<256x768xf32>
    %dot_general3A_10 = tpu.matmul %convert_element_type3A_6, %get3A_9, %dot_general3A {dimension_numbers = #tpu.dot_dimension_numbers<[1], [0], [0], [1], [0, 0, 1, 1], [], []>, transpose_lhs_hint = false} : vector<256x2048xbf16>, vector<2048x768xbf16>, vector<256x768xf32> -> vector<256x768xf32>
    %convert_element_type3A_11 = arith.truncf %dot_general3A_10 : vector<256x768xf32> to vector<256x768xbf16>
    %get3A_12 = arith.constant 0 : index
    %get3A_13 = arith.constant 0 : index
    %get3A_14 = arith.constant 0 : index
    %get3A_15 = vector.load %arg4[%get3A_12, %get3A_13, %get3A_14] : memref<1x768x2048xbf16, #tpu.memory_space<vmem>>, vector<1x768x2048xbf16>
    %get3A_16 = vector.shape_cast %get3A_15 : vector<1x768x2048xbf16> to vector<768x2048xbf16>
    %dot_general3A_17 = arith.constant dense<0.000000e+00> : vector<256x2048xf32>
    %dot_general3A_18 = tpu.matmul %convert_element_type3A_11, %get3A_16, %dot_general3A_17 {dimension_numbers = #tpu.dot_dimension_numbers<[1], [0], [0], [1], [0, 0, 1, 1], [], []>, transpose_lhs_hint = false} : vector<256x768xbf16>, vector<768x2048xbf16>, vector<256x2048xf32> -> vector<256x2048xf32>
    %get3A_19 = arith.constant 0 : index
    %get3A_20 = arith.constant 0 : index
    %get3A_21 = arith.constant 0 : index
    %get3A_22 = vector.load %arg5[%get3A_19, %get3A_20, %get3A_21] : memref<1x1x2048xf32, #tpu.memory_space<vmem>>, vector<1x1x2048xf32>
    %get3A_23 = vector.shape_cast %get3A_22 : vector<1x1x2048xf32> to vector<1x2048xf32>
    %add3A = vector.broadcast %get3A_23 : vector<1x2048xf32> to vector<256x2048xf32>
    %add3A_24 = arith.addf %dot_general3A_18, %add3A : vector<256x2048xf32>
    %integer_pow3A = arith.mulf %add3A_24, %add3A_24 : vector<256x2048xf32>
    %integer_pow3A_25 = arith.mulf %add3A_24, %integer_pow3A : vector<256x2048xf32>
    %mul3A = arith.constant 4.471500e-02 : f32
    %mul3A_26 = vector.broadcast %mul3A : f32 to vector<256x2048xf32>
    %mul3A_27 = arith.mulf %mul3A_26, %integer_pow3A_25 : vector<256x2048xf32>
    %add3A_28 = arith.addf %add3A_24, %mul3A_27 : vector<256x2048xf32>
    %mul3A_29 = arith.constant 0.797884583 : f32
    %mul3A_30 = vector.broadcast %mul3A_29 : f32 to vector<256x2048xf32>
    %mul3A_31 = arith.mulf %mul3A_30, %add3A_28 : vector<256x2048xf32>
    %tanh3A = math.tanh %mul3A_31 : vector<256x2048xf32>
    %add3A_32 = arith.constant 1.000000e+00 : f32
    %add3A_33 = vector.broadcast %add3A_32 : f32 to vector<256x2048xf32>
    %add3A_34 = arith.addf %add3A_33, %tanh3A : vector<256x2048xf32>
    %mul3A_35 = arith.constant 5.000000e-01 : f32
    %mul3A_36 = vector.broadcast %mul3A_35 : f32 to vector<256x2048xf32>
    %mul3A_37 = arith.mulf %mul3A_36, %add3A_34 : vector<256x2048xf32>
    %mul3A_38 = arith.mulf %add3A_24, %mul3A_37 : vector<256x2048xf32>
    %convert_element_type3A_39 = arith.truncf %mul3A_38 : vector<256x2048xf32> to vector<256x2048xbf16>
    %get3A_40 = arith.constant 0 : index
    %get3A_41 = arith.constant 0 : index
    %get3A_42 = arith.constant 0 : index
    %get3A_43 = vector.load %arg6[%get3A_40, %get3A_41, %get3A_42] : memref<1x2048x768xbf16, #tpu.memory_space<vmem>>, vector<1x2048x768xbf16>
    %get3A_44 = vector.shape_cast %get3A_43 : vector<1x2048x768xbf16> to vector<2048x768xbf16>
    %dot_general3A_45 = arith.constant dense<0.000000e+00> : vector<256x768xf32>
    %dot_general3A_46 = tpu.matmul %convert_element_type3A_39, %get3A_44, %dot_general3A_45 {dimension_numbers = #tpu.dot_dimension_numbers<[1], [0], [0], [1], [0, 0, 1, 1], [], []>, transpose_lhs_hint = false} : vector<256x2048xbf16>, vector<2048x768xbf16>, vector<256x768xf32> -> vector<256x768xf32>
    %get3A_47 = arith.constant 0 : index
    %get3A_48 = arith.constant 0 : index
    %get3A_49 = arith.constant 0 : index
    %get3A_50 = vector.load %arg7[%get3A_47, %get3A_48, %get3A_49] : memref<1x1x768xf32, #tpu.memory_space<vmem>>, vector<1x1x768xf32>
    %get3A_51 = vector.shape_cast %get3A_50 : vector<1x1x768xf32> to vector<1x768xf32>
    %add3A_52 = vector.broadcast %get3A_51 : vector<1x768xf32> to vector<256x768xf32>
    %add3A_53 = arith.addf %dot_general3A_46, %add3A_52 : vector<256x768xf32>
    %get3A_54 = arith.constant 0 : index
    %get3A_55 = arith.constant 0 : index
    %get3A_56 = arith.constant 0 : index
    %get3A_57 = vector.load %arg8[%get3A_54, %get3A_55, %get3A_56] : memref<1x1x256xf32, #tpu.memory_space<vmem>>, vector<1x1x256xf32>
    %get3A_58 = vector.shape_cast %get3A_57 : vector<1x1x256xf32> to vector<256xf32>
    %reshape3A_59 = vector.shape_cast %get3A_58 : vector<256xf32> to vector<256x1xf32>
    %mul3A_60 = vector.broadcast %reshape3A_59 : vector<256x1xf32> to vector<256x768xf32>
    %mul3A_61 = arith.mulf %add3A_53, %mul3A_60 : vector<256x768xf32>
    %iota3A_62 = tpu.iota {dimensions = array<i32: 0>} : vector<2048x256xi32>
    %reshape3A_63 = vector.shape_cast %reshape3A : vector<256x1xi32> to vector<1x256xi32>
    %broadcast_in_dim3A_64 = vector.shape_cast %reshape3A_63 : vector<1x256xi32> to vector<1x256xi32>
    %broadcast_in_dim3A_65 = vector.broadcast %broadcast_in_dim3A_64 : vector<1x256xi32> to vector<2048x256xi32>
    %eq3A_66 = arith.cmpi eq, %iota3A_62, %broadcast_in_dim3A_65 : vector<2048x256xi32>
    %convert_element_type3A_67 = arith.extui %eq3A_66 : vector<2048x256xi1> to vector<2048x256xi32>
    %convert_element_type3A_68 = arith.sitofp %convert_element_type3A_67 : vector<2048x256xi32> to vector<2048x256xf32>
    %convert_element_type3A_69 = arith.truncf %convert_element_type3A_68 : vector<2048x256xf32> to vector<2048x256xbf16>
    %convert_element_type3A_70 = arith.truncf %mul3A_61 : vector<256x768xf32> to vector<256x768xbf16>
    %dot_general3A_71 = arith.constant dense<0.000000e+00> : vector<2048x768xf32>
    %dot_general3A_72 = tpu.matmul %convert_element_type3A_69, %convert_element_type3A_70, %dot_general3A_71 {dimension_numbers = #tpu.dot_dimension_numbers<[1], [0], [0], [1], [0, 0, 1, 1], [], []>, transpose_lhs_hint = false} : vector<2048x256xbf16>, vector<256x768xbf16>, vector<2048x768xf32> -> vector<2048x768xf32>
    %eq3A_73 = arith.constant 0 : i32
    %eq3A_74 = arith.cmpi eq, %arg0, %eq3A_73 : i32
    %convert_element_type3A_75 = arith.extui %eq3A_74 : i1 to i32
    %cond3A = arith.constant 0 : i32
    %cond3A_76 = arith.cmpi ne, %convert_element_type3A_75, %cond3A : i32
    scf.if %cond3A_76 {
      %swap3A = arith.constant 0 : index
      %swap3A_81 = arith.constant 0 : index
      %swap3A_82 = vector.load %arg9[%swap3A, %swap3A_81] : memref<2048x768xf32, #tpu.memory_space<vmem>>, vector<2048x768xf32>
      tpu.vector_store %arg9[%swap3A, %swap3A_81], %dot_general3A_72 {strides = array<i32>} : memref<2048x768xf32, #tpu.memory_space<vmem>>, vector<2048x768xf32>,
    } else {
    }
    %gt3A = arith.constant 0 : i32
    %gt3A_77 = arith.cmpi sgt, %arg0, %gt3A : i32
    %convert_element_type3A_78 = arith.extui %gt3A_77 : i1 to i32
    %cond3A_79 = arith.constant 0 : i32
    %cond3A_80 = arith.cmpi ne, %convert_element_type3A_78, %cond3A_79 : i32
    scf.if %cond3A_80 {
      %get3A_81 = arith.constant 0 : index
      %get3A_82 = arith.constant 0 : index
      %get3A_83 = vector.load %arg9[%get3A_81, %get3A_82] : memref<2048x768xf32, #tpu.memory_space<vmem>>, vector<2048x768xf32>
      %add3A_84 = arith.addf %get3A_83, %dot_general3A_72 : vector<2048x768xf32>
      %swap3A = arith.constant 0 : index
      %swap3A_85 = arith.constant 0 : index
      %swap3A_86 = vector.load %arg9[%swap3A, %swap3A_85] : memref<2048x768xf32, #tpu.memory_space<vmem>>, vector<2048x768xf32>
      tpu.vector_store %arg9[%swap3A, %swap3A_85], %add3A_84 {strides = array<i32>} : memref<2048x768xf32, #tpu.memory_space<vmem>>, vector<2048x768xf32>,
    } else {
    }
    return
  }
  func.func @transform_0(%arg0: i32, %arg1: memref<24xi32, #tpu.memory_space<smem>>) -> (i32, i32, i32) {
    %c0_i32 = arith.constant 0 : i32
    %c0_i32_0 = arith.constant 0 : i32
    %c0_i32_1 = arith.constant 0 : i32
    return %arg0, %c0_i32, %c0_i32_0 : i32, i32, i32
  }
  func.func @transform_1(%arg0: i32, %arg1: memref<24xi32, #tpu.memory_space<smem>>) -> (i32, i32) {
    %c0_i32 = arith.constant 0 : i32
    %c0_i32_0 = arith.constant 0 : i32
    %c0_i32_1 = arith.constant 0 : i32
    return %c0_i32, %c0_i32_0 : i32, i32
  }
  func.func @transform_2(%arg0: i32, %arg1: memref<24xi32, #tpu.memory_space<smem>>) -> (i32, i32, i32) {
    %get3A = arith.index_cast %arg0 : i32 to index
    %get3A_0 = memref.load %arg1[%get3A] : memref<24xi32, #tpu.memory_space<smem>>
    %c0_i32 = arith.constant 0 : i32
    %c0_i32_1 = arith.constant 0 : i32
    %c0_i32_2 = arith.constant 0 : i32
    return %get3A_0, %c0_i32, %c0_i32_1 : i32, i32, i32
  }
  func.func @transform_3(%arg0: i32, %arg1: memref<24xi32, #tpu.memory_space<smem>>) -> (i32, i32, i32) {
    %get3A = arith.index_cast %arg0 : i32 to index
    %get3A_0 = memref.load %arg1[%get3A] : memref<24xi32, #tpu.memory_space<smem>>
    %c0_i32 = arith.constant 0 : i32
    %c0_i32_1 = arith.constant 0 : i32
    %c0_i32_2 = arith.constant 0 : i32
    return %get3A_0, %c0_i32, %c0_i32_1 : i32, i32, i32
  }
  func.func @transform_4(%arg0: i32, %arg1: memref<24xi32, #tpu.memory_space<smem>>) -> (i32, i32, i32) {
    %get3A = arith.index_cast %arg0 : i32 to index
    %get3A_0 = memref.load %arg1[%get3A] : memref<24xi32, #tpu.memory_space<smem>>
    %c0_i32 = arith.constant 0 : i32
    %c0_i32_1 = arith.constant 0 : i32
    %c0_i32_2 = arith.constant 0 : i32
    return %get3A_0, %c0_i32, %c0_i32_1 : i32, i32, i32
  }
  func.func @transform_5(%arg0: i32, %arg1: memref<24xi32, #tpu.memory_space<smem>>) -> (i32, i32, i32) {
    %get3A = arith.index_cast %arg0 : i32 to index
    %get3A_0 = memref.load %arg1[%get3A] : memref<24xi32, #tpu.memory_space<smem>>
    %c0_i32 = arith.constant 0 : i32
    %c0_i32_1 = arith.constant 0 : i32
    %c0_i32_2 = arith.constant 0 : i32
    return %get3A_0, %c0_i32, %c0_i32_1 : i32, i32, i32
  }
  func.func @transform_6(%arg0: i32, %arg1: memref<24xi32, #tpu.memory_space<smem>>) -> (i32, i32, i32) {
    %c0_i32 = arith.constant 0 : i32
    %c0_i32_0 = arith.constant 0 : i32
    %c0_i32_1 = arith.constant 0 : i32
    return %arg0, %c0_i32, %c0_i32_0 : i32, i32, i32
  }
  func.func @transform_7(%arg0: i32, %arg1: memref<24xi32, #tpu.memory_space<smem>>) -> (i32, i32) {
    %c0_i32 = arith.constant 0 : i32
    %c0_i32_0 = arith.constant 0 : i32
    %c0_i32_1 = arith.constant 0 : i32
    return %c0_i32, %c0_i32_0 : i32, i32
  }
}

</mosaic_0001>

<sc_bundles>
// kernel: kernel.5.cloned.1.call-start
scs
__scs_entry_jumppad:
0x0: {  	(pc) =	sbr.rel $0x88, $3  }
0x1: {  	(tag) =	ssettag $0x0;
	lr =	simm.s32 $0x1  }
0x2: {  	[smem:$0x3F9A] =	sst lr;
	_ =	strace $0xD0000000  }
0x3: {  	_ = 	snop  }
0x4: {  	_ = 	snop  }
0x5: {  	_ = 	snop  }
0x6: {  	_ = 	snop  }
0x7: {  	_ = 	snop  }
__scs_overlays_trampoline_lowered:
0x8: {  	[smem:$0x3FA9] =	sst s0  }
0x9: {  	[smem:$0x3FAA] =	sst s1  }
0xa: {  	[smem:$0x3FAB] =	sst s2  }
0xb: {  	[smem:$0x3FAC] =	sst s3  }
0xc: {  	[smem:$0x3FAD] =	sst s4  }
0xd: {  	[smem:$0x3FAE] =	sst s5  }
0xe: {  	[smem:$0x3FAF] =	sst s6  }
0xf: {  	[smem:$0x3FB0] =	sst s7  }
0x10: {  	[smem:$0x3FB1] =	sst s8  }
0x11: {  	[smem:$0x3FB2] =	sst s9;
	s0 =	simm.s32 @!p0 $0x0  }
0x12: {  	s1 =	sld [smem:$0x3F98];
	s0 =	simm.s32 @p0 $0x1  }
0x13: {  	[smem:$0x3FB3] =	sst s0;
	s0 =	simm.s32 @!p1 $0x0  }
0x14: {  	s2 =	sld [smem:$0x3F97];
	s0 =	simm.s32 @p1 $0x1  }
0x15: {  	[smem:$0x3FB4] =	sst s0;
	s0 =	simm.s32 @!p2 $0x0  }
0x16: {  	s3 =	sld [smem:$0x3FDB];
	s0 =	simm.s32 @p2 $0x1  }
0x17: {  	s4 =	simm.s32 $0x1BF5;
	[smem:$0x3FB6] =	sst s0  }
0x18: {  	s0 =	sld [smem:$0x3F99];
	_ =	swait.ge [sflag:s4], $0x0  }
0x19: {  	s7 =	sld [smem:$0x3F9A]  }
0x1a: {  	s8 =	sadd.s32 $0xFFFFE003, lr  }
0x1b: {  	s9 =	sadd.s32 $0xFFFFFEF7, lr;
	s5 =	simm.s32 $0xFFFFFFFF;
	p2 =	slt.u32 s8, $0xFFFFF086  }
0x1c: {  	p1 =	slt.u32 s9, $0xF7A;
	s5 =	simm.s32 @!p2 $0x0  }
0x1d: {  	s5 =	simm.s32 @p1 $0x1;
	p0 =	seq.s32 s7, s2  }
0x1e: {  	s7 =	smul.u32 @!p0 $0xF7A, s2;
	p2 =	seq.s32 @!p0 s5, $0x0  }
0x1f: {  	s9 =	smul.u32 $0xF7A, s1;
	s8 =	simm.s32 @!p0 $0x1BF5;
	p2 =	por !p2, p0  }
0x20: {  	[sflag:s8] =	ssyncset.s32 @!p0 $0xFFFFF086;
	s6 =	sadd.s32 @!p0 s3, s7;
	s7 =	simm.s32 @!p0 $0x108  }
0x21: {  	s3 =	sadd.s32 s3, s9;
	s6 =	sadd.s32 @!p0 $0x88, s6;
	s7 =	simm.s32 @p2 $0x1082  }
0x22: {  	[simem:s7], [sflag:s8] =	dma.local @!p0 [hbm:s6], $0xF7A  }
0x23: {  	s9 =	sor.u32 $0xD0000000, s2;
	s6 =	simm.s32 $0x108;
	_ =	swait.ge @!p0 [sflag:s8], $0x0  }
0x24: {  	s3 =	sadd.s32 $0x88, s3;
	s6 =	simm.s32 @!p1 $0x1082;
	[sflag:s4] =	ssyncset.s32 $0xFFFFF086  }
0x25: {  	[simem:s6], [sflag:s4] =	dma.local [hbm:s3], $0xF7A  }
0x26: {  	[smem:$0x3F9A] =	sst s1;
	(tag) =	ssettag s2;
	_ =	strace s9  }
0x27: {  	s1 =	sld [smem:$0x3FAA]  }
0x28: {  	s2 =	sld [smem:$0x3FAB]  }
0x29: {  	s4 =	sld [smem:$0x3FAD]  }
0x2a: {  	p0 =	seq.s32 s5, $0x0;
	s5 =	sld [smem:$0x3FAE]  }
0x2b: {  	s6 =	sld [smem:$0x3FAF]  }
0x2c: {  	s7 =	sld [smem:$0x3FB0]  }
0x2d: {  	s3 =	simm.s32 $0x108;
	s8 =	sld [smem:$0x3FB1]  }
0x2e: {  	s3 =	simm.s32 @!p0 $0x1082;
	s9 =	sld [smem:$0x3FB2]  }
0x2f: {  	lr =	sadd.s32 s0, s3;
	s0 =	sld [smem:$0x3FA9]  }
0x30: {  	s3 =	sld [smem:$0x3FAC]  }
0x31: {  	[smem:$0x3FB5] =	sst s10  }
0x32: {  	s10 =	sld [smem:$0x3FB3];
	_ =	sdelay $0x3  }
0x33: {  	p0 =	seq.s32 s10, $0x1;
	s10 =	sld [smem:$0x3FB5];
	_ =	sdelay $0x3  }
0x34: {  	[smem:$0x3FB5] =	sst s10  }
0x35: {  	s10 =	sld [smem:$0x3FB4];
	_ =	sdelay $0x3  }
0x36: {  	p1 =	seq.s32 s10, $0x1;
	s10 =	sld [smem:$0x3FB5];
	_ =	sdelay $0x3  }
0x37: {  	[smem:$0x3FB5] =	sst s10  }
0x38: {  	s10 =	sld [smem:$0x3FB6]  }
0x39: {  	_ = 	snop;
	(pc) =	sbr.ind lr, $3  }
0x3a: {  	_ = 	snop  }
0x3b: {  	_ = 	snop  }
0x3c: {  	p2 =	seq.s32 s10, $0x1;
	s10 =	sld [smem:$0x3FB5]  }
0x3d: {  	_ =	shalt  }
0x3e: {  	_ =	shalt  }
0x3f: {  	_ =	shalt  }
0x40: {  	_ =	shalt  }
0x41: {  	_ =	shalt  }
0x42: {  	_ =	shalt  }
0x43: {  	_ =	shalt  }
0x44: {  	_ =	shalt  }
0x45: {  	_ =	shalt  }
0x46: {  	_ =	shalt  }
0x47: {  	_ =	shalt  }
0x48: {  	_ =	shalt  }
0x49: {  	_ =	shalt  }
0x4a: {  	_ =	shalt  }
0x4b: {  	_ =	shalt  }
0x4c: {  	_ =	shalt  }
0x4d: {  	_ =	shalt  }
0x4e: {  	_ =	shalt  }
0x4f: {  	_ =	shalt  }
0x50: {  	_ =	shalt  }
0x51: {  	_ =	shalt  }
0x52: {  	_ =	shalt  }
0x53: {  	_ =	shalt  }
0x54: {  	_ =	shalt  }
0x55: {  	_ =	shalt  }
0x56: {  	_ =	shalt  }
0x57: {  	_ =	shalt  }
0x58: {  	_ =	shalt  }
0x59: {  	_ =	shalt  }
0x5a: {  	_ =	shalt  }
0x5b: {  	_ =	shalt  }
0x5c: {  	_ =	shalt  }
0x5d: {  	_ =	shalt  }
0x5e: {  	_ =	shalt  }
0x5f: {  	_ =	shalt  }
0x60: {  	_ =	shalt  }
0x61: {  	_ =	shalt  }
0x62: {  	_ =	shalt  }
0x63: {  	_ =	shalt  }
0x64: {  	_ =	shalt  }
0x65: {  	_ =	shalt  }
0x66: {  	_ =	shalt  }
0x67: {  	_ =	shalt  }
0x68: {  	_ =	shalt  }
0x69: {  	_ =	shalt  }
0x6a: {  	_ =	shalt  }
0x6b: {  	_ =	shalt  }
0x6c: {  	_ =	shalt  }
0x6d: {  	_ =	shalt  }
0x6e: {  	_ =	shalt  }
0x6f: {  	_ =	shalt  }
0x70: {  	_ =	shalt  }
0x71: {  	_ =	shalt  }
0x72: {  	_ =	shalt  }
0x73: {  	_ =	shalt  }
0x74: {  	_ =	shalt  }
0x75: {  	_ =	shalt  }
0x76: {  	_ =	shalt  }
0x77: {  	_ =	shalt  }
0x78: {  	_ =	shalt  }
0x79: {  	_ =	shalt  }
0x7a: {  	_ =	shalt  }
0x7b: {  	_ =	shalt  }
0x7c: {  	_ =	shalt  }
0x7d: {  	_ =	shalt  }
0x7e: {  	_ =	shalt  }
0x7f: {  	_ =	shalt  }
0x80: {  	_ =	shalt  }
0x81: {  	_ =	shalt  }
0x82: {  	_ =	shalt  }
0x83: {  	_ =	shalt  }
0x84: {  	_ =	shalt  }
0x85: {  	_ =	shalt  }
0x86: {  	_ =	shalt  }
0x87: {  	_ =	shalt  }
.Lfunc_end0:
.L_simem_size_0:
called_computation_lowered:
.L_overlay_start_0:
0x88: {  	s2 =	sld [smem:$0x3FD9]  }
0x89: {  	s3 =	sld [smem:$0x3FFE];
	_ =	sdelay $0x1  }
0x8a: {  	s1 =	srdreg.scid  }
0x8b: {  	s0 =	sand.u32 $0x1, s1  }
0x8c: {  	s14 =	sshll.u32 s0, $0xA;
	s2 =	sadd.s32 s3, s2  }
0x8d: {  	s2 =	sadd.s32 s2, s14  }
0x8e: {  	[smem:$0x3FC1] =	sst s2  }
0x8f: {  	_ = 	snop  }
0x90: {  	s2 =	sld [smem:$0x3FD0];
	_ =	sdelay $0x2  }
0x91: {  	s15 =	simm.s32 $0xA;
	s4 =	simm.s32 $0x10  }
0x92: {  	[smem:s4], [sflag:s15] =	dma.local [hbm:s2], $0x1  }
0x93: {  	_ =	swait.eq [sflag:s15], $0x1  }
0x94: {  	[sflag:s15] =	ssyncset.done $0x0  }
0x95: {  	[sflag:s15] =	ssyncadd.s32 $0xFFFFFFFF  }
0x96: {  	s16 =	sld [smem:$0x12];
	(tm) =	ssettm $0x1  }
0x97: {  	s17 =	sld [smem:$0x3FFB];
	_ =	sdelay $0x3  }
0x98: {  	_ =	strace s17  }
0x99: {  	s3 =	sld [smem:$0x3FFC];
	_ =	sdelay $0x3  }
0x9a: {  	_ =	strace s3  }
0x9b: {  	s3 =	sld [smem:$0x3FFD];
	_ =	sdelay $0x3  }
0x9c: {  	_ =	strace s3  }
0x9d: {  	_ =	strace $0x8FFFFFFF  }
0x9e: {  	s18 =	sld [smem:$0x3FDB];
	_ =	sdelay $0x1  }
0x9f: {  	s19 =	simm.s32 $_scs_section_size  }
0xa0: {  	s5 =	simm.s32 $_size__tile_overlayer_lowered;
	s6 =	simm.s32 $_tile_overlayer_lowered  }
0xa1: {  	s22 =	simm.s32 $0x1BFF;
	s21 =	sshll.u32 s6, $0x1;
	s3 =	sadd.s32 s19, s18  }
0xa2: {  	s7 =	simm.s32 $0x0;
	s20 =	sshll.u32 s5, $0x1;
	s5 =	sadd.s32 s21, s3  }
0xa3: {  	[timem:s7], [sflag:s22] =	dma.local [hbm:s5], s20  }
0xa4: {  	_ =	swait.ge [sflag:s22], s20  }
0xa5: {  	s4 =	ssub.s32 $0x0, s20;
	[sflag:s22] =	ssyncset.done $0x0  }
0xa6: {  	[sflag:s22] =	ssyncadd.s32 s4;
	_ =	sdelay $0x1  }
0xa7: {  	s23 =	simm.s32 $0x1B8B  }
0xa8: {  	_ =	swait.ge [sflag:s23], $0x1  }
0xa9: {  	[sflag:s23] =	ssyncset.done $0x0  }
0xaa: {  	s25 =	simm.s32 $0x1B8E;
	s24 =	sld [smem:$0x3FFE];
	[sflag:s23] =	ssyncadd.s32 $0xFFFFFFFF  }
0xab: {  	s26 =	simm.s32 $execute0_lowered;
	[smem:$0x3FD2] =	sst s25  }
0xac: {  	s5 =	sshll.u32 s26, $0x1;
	_ =	strace $0x80000046;
	[dreg:$0x1] =	wrdreg $0xFFFFFFFF  }
0xad: {  	s28 =	simm.s32 $_size_execute0_lowered;
	s3 =	sadd.s32 s3, s5;
	[dreg:$0x0] =	wrdreg $0x0  }
0xae: {  	s5 =	sshll.u32 s28, $0x1;
	[dreg:$0x2] =	wrdreg s3  }
0xaf: {  	[dreg:$0x3] =	wrdreg s5  }
0xb0: {  	[dreg:$0x4] =	wrdreg $0xC0  }
0xb1: {  	_ =	task [dreg:s7], $0x5FFFF  }
0xb2: {  	[dreg:$0x1] =	wrdreg $0xFFFFFFFF  }
0xb3: {  	[dreg:$0x0] =	wrdreg $0x60  }
0xb4: {  	[dreg:$0x2] =	wrdreg s24  }
0xb5: {  	[dreg:$0x3] =	wrdreg s16  }
0xb6: {  	[dreg:$0x4] =	wrdreg $0x9  }
0xb7: {  	_ =	task.clear_ibuf [dreg:s7], $0x5FFFF;
	_ =	strace $0x90000046  }
0xb8: {  	s29 =	simm.s32 $0x9;
	_ =	strace $0x80000048  }
0xb9: {  	_ =	swait.ge [sflag:s29], $0x1  }
0xba: {  	[sflag:s29] =	ssyncadd.s32 $0xFFFFFFFF  }
0xbb: {  	_ =	strace $0x90000048  }
0xbc: {  	_ =	sfence  }
0xbd: {  	s30 =	sld [smem:$0x0];
	_ =	sdelay $0x2  }
0xbe: {  	s31 =	sshll.u32 s1, $0xD;
	s1 =	sshrl.u32 s1, $0x2  }
0xbf: {  	s3 =	sand.u32 $0x4000, s31;
	s1 =	sadd.s32 s1, s30  }
0xc0: {  	s0 =	sor.u32 s3, s0;
	s1 =	sshll.u32 s1, $0x11  }
0xc1: {  	s0 =	sor.u32 s1, s0  }
0xc2: {  	s0 =	sadd.s32 $0x8F2B, s0  }
0xc3: {  	[sflag:s0] =	ssyncadd.remote.s32 $0x1  }
0xc4: {  	_ =	sfence.sel $0xFFFF  }
0xc5: {  	[dreg:$0x0] =	wrdreg $0xFFFFFFFF;
	(pc) =	sbr.abs _section_cstart, $3  }
0xc6: {  	[dreg:$0x1] =	wrdreg $0xFFFFFFFF  }
0xc7: {  	_ =	task.clear_ibuf [dreg:s7], $0x2FFFF;
	_ =	strace $0x9FFFFFFF  }
0xc8: {  	(tm) =	ssettm $0x7FFFFFFF  }
0xc9: {  	_ =	shalt  }
tec
execute0_lowered:
.L_overlay_start_1:
0x0: {  	(tag) =	ssettag $0x1  }
0x1: {  	s6 =	rddreg [dreg:$0x0];
	s1 =	srdreg.scid  }
0x2: {  	s0 =	stileid.u32;
	s7 =	rddreg [dreg:$0x1];
	s2 =	simm.s32 $0x0  }
0x3: {  	s13 =	simm.s32 $0x100;
	s14 =	simm.s32 $0x1;
	s15 =	simm.s32 $0x800  }
0x4: {  	s16 =	simm.s32 $0x1000;
	s17 =	simm.s32 $0x1800;
	s18 =	simm.s32 $0x2000  }
0x5: {  	s19 =	simm.s32 $0x3800;
	s4 =	sand.u32 $0x1, s1;
	s3 =	sshll.u32 s0, $0x1  }
0x6: {  	s20 =	simm.s32 $0x0;
	s1 =	rddreg [dreg:$0x2];
	s3 =	sor.u32 s4, s3  }
0x7: {  	[smem:$0x7FF] =	sst s2;
	s5 =	ssub.s32 $0x2, s4;
	s10 =	smul.u32 $0xC0, s3  }
0x8: {  	_ =	strace $0x80000047;
	s4 =	sadd.s32 $0x1E00, s6;
	s9 =	sshrl.u32 s5, $0x1  }
0x9: {  	s3 =	sadd.s32 $0x1A00, s6;
	s12 =	ssub.s32 s5, s9;
	s8 =	sshrl.u32 s10, $0x3  }
0xa: {  	s5 =	sadd.s32 $0x1A10, s6;
	s11 =	sadd.s32 s8, s6;
	s6 =	sadd.s32 $0x1E10, s6  }
0xb: {  	s7 =	sadd.s32 s7, s8;
	s8 =	sor.u32 $0x2000, s10;
	s10 =	sadd.s32 $0x3800, s10  }
0xc: {  	v0 =	vimm.s32 $0x0;
	v1 =	vimm.f32 $0.0e+00;
	v2 =	vlaneseq.u32;
	s9 =	sadd.s32 $0x2200, s11;
	s11 =	smax.u32 s12, $0x1;
	s12 =	simm.s32 $0x80  }
.LBB2_1:
0xd: {  	[tilespmem:s2], [sflag:$0x1] =	stream.strided.gather [hbm4b:s3+s12], $0x800, s13, s12, $0x38;
	[tilespmem:$0x5000] =	vst v63  }
0xe: {  	_ =	swait.ge [sflag:s14], $0x800  }
0xf: {  	[sflag:s14] =	ssyncset.done $0x0  }
0x10: {  	[sflag:s14] =	ssyncadd.s32 $0xFFFFF800  }
0x11: {  	[tilespmem:s15], [sflag:$0x1] =	stream.strided.gather [hbm4b:s5+s12], $0x800, s13, s12, $0x38;
	[tilespmem:$0x5000] =	vst v63  }
0x12: {  	_ =	swait.ge [sflag:s14], $0x800  }
0x13: {  	[sflag:s14] =	ssyncset.done $0x0  }
0x14: {  	[sflag:s14] =	ssyncadd.s32 $0xFFFFF800  }
0x15: {  	[tilespmem:s16], [sflag:$0x1] =	stream.strided.gather [hbm4b:s4+s12], $0x800, s13, s12, $0x38;
	[tilespmem:$0x5000] =	vst v63  }
0x16: {  	_ =	swait.ge [sflag:s14], $0x800  }
0x17: {  	[sflag:s14] =	ssyncset.done $0x0  }
0x18: {  	[sflag:s14] =	ssyncadd.s32 $0xFFFFF800  }
0x19: {  	[tilespmem:s17], [sflag:$0x1] =	stream.strided.gather [hbm4b:s6+s12], $0x800, s13, s12, $0x38;
	[tilespmem:$0x5000] =	vst v63  }
0x1a: {  	_ =	swait.ge [sflag:s14], $0x800  }
0x1b: {  	[sflag:s14] =	ssyncset.done $0x0  }
0x1c: {  	s21 =	simm.s32 $0x0;
	[sflag:s14] =	ssyncadd.s32 $0xFFFFF800  }
.LBB2_2:
0x1d: {  	p0 =	sne.s32 s21, $0x5FC0  }
.Ltmp0:
0x1e: {  	_ = 	snop;
	(pc) =	sbr.rel @p0 .LBB2_2-.Ltmp0, $4  }
0x1f: {  	_ = 	snop  }
0x20: {  	s22 =	sshra.s32 s21, $0x2  }
0x21: {  	[tilespmem:s22+$0x2000] =	vst v0  }
0x22: {  	s21 =	sadd.s32 $0x40, s21;
	[tilespmem:s22+$0x3800] =	vst v1  }
0x23: {  	s21 =	simm.s32 $0x0  }
0x24: {  	v3 =	vld [tilespmem:s21+$0x0];
	_ =	sdelay $0x5  }
0x25: {  	v4 =	vor.u32 s21, v2  }
0x26: {  	v4 =	vand.u32 $0x7FF, v4  }
0x27: {  	s21 =	simm.s32 $0x1000;
	[tilespmem:v3+s18+$0x0] =	vst.idx.msk $0xffff, v4  }
0x28: {  	v4 =	vld [tilespmem:s21+$0x0];
	_ =	sdelay $0x4  }
0x29: {  	s22 =	simm.s32 $0x10;
	[tilespmem:v3+s19+$0x0] =	vst.idx.msk $0xffff, v4  }
0x2a: {  	s23 =	simm.s32 $0x20;
	s24 =	simm.s32 $0x10;
	v3 =	vld [tilespmem:s22+$0x0]  }
.LBB2_4:
0x2b: {  	p0 =	sne.s32 s23, $0xFF0;
	_ =	sdelay $0x4  }
0x2c: {  	v4 =	vor.u32 s22, v2;
	s22 =	smov.u32 s23  }
0x2d: {  	v4 =	vand.u32 $0x7FF, v4  }
0x2e: {  	s21 =	sadd.s32 $0x10, s21;
	[tilespmem:v3+s18+$0x0] =	vst.idx.msk $0xffff, v4  }
0x2f: {  	v4 =	vld [tilespmem:s21+$0x0];
	_ =	sdelay $0x1  }
.Ltmp1:
0x30: {  	(pc) =	sbr.rel @p0 .LBB2_4-.Ltmp1, $3  }
0x31: {  	_ =	sdelay $0x1  }
0x32: {  	s24 =	sadd.s32 $0x10, s24;
	[tilespmem:v3+s19+$0x0] =	vst.idx.msk $0xffff, v4  }
0x33: {  	s23 =	sadd.s32 $0x10, s23;
	v3 =	vld [tilespmem:s24+$0x0]  }
0x34: {  	_ =	sdelay $0x5  }
0x35: {  	v4 =	vor.u32 s22, v2  }
0x36: {  	v4 =	vand.u32 $0x7FF, v4  }
0x37: {  	s21 =	sadd.s32 $0x10, s21;
	[tilespmem:v3+s18+$0x0] =	vst.idx.msk $0xffff, v4  }
0x38: {  	v4 =	vld [tilespmem:s21+$0x0];
	_ =	sdelay $0x4  }
0x39: {  	[tilespmem:v3+s19+$0x0] =	vst.idx.msk $0xffff, v4  }
0x3a: {  	[hbm4b:s7+s2] =	stream.linear.scatter [tilespmem:s8], [sflag:$0x1], $0xC0, $0x38;
	[tilespmem:$0x5000] =	vst v63  }
0x3b: {  	s20 =	sadd.s32 $0x1, s20;
	_ =	swait.ge [sflag:s14], $0xC0  }
0x3c: {  	p0 =	sne.s32 s20, s11;
	[sflag:s14] =	ssyncset.done $0x0  }
.Ltmp2:
0x3d: {  	[sflag:s14] =	ssyncadd.s32 $0xFFFFFF40;
	(pc) =	sbr.rel @p0 .LBB2_1-.Ltmp2, $4  }
0x3e: {  	[hbm4b:s9+s2] =	stream.linear.scatter [tilespmem:s10], [sflag:$0x1], $0xC0, $0x38;
	[tilespmem:$0x5000] =	vst v63  }
0x3f: {  	_ =	swait.ge [sflag:s14], $0xC0  }
0x40: {  	[sflag:s14] =	ssyncset.done $0x0  }
0x41: {  	[sflag:s14] =	ssyncadd.s32 $0xFFFFFF40  }
0x42: {  	_ =	sfence.sel $0x180000  }
0x43: {  	[bflag:$0x0] =	sbarrier.arrive $0xFFFF  }
0x44: {  	p0 =	sne.s32 s0, $0x0;
	_ =	strace $0x90000047  }
0x45: {  	s0 =	sadd.s32 @!p0 $0x100000, s1;
	[bflag:$0x2] =	sbarrier.arrive $0xFFFF  }
0x46: {  	[sflag:s0] =	ssyncadd.tile.s32 @!p0 $0x1;
	_ =	shalt  }
.Lfunc_end2:
_tile_overlayer_lowered:
.L_overlay_start_2:
0x47: {  	(tag) =	ssettag $0x2  }
0x48: {  	s0 =	rddreg [dreg:$0x0];
	s2 =	stileid.u32  }
0x49: {  	s1 =	rddreg [dreg:$0x1];
	p0 =	sne.s32 s2, $0x0  }
0x4a: {  	s3 =	rddreg [dreg:$0x2];
	[bflag:$0x3] =	sbarrier.arrive $0xFFFF;
	s2 =	simm.s32 @!p0 $0x1C01  }
0x4b: {  	[timem:s3], [sflag:s2] =	dma.local @!p0 [hbm:s0], s1  }
0x4c: {  	s0 =	simm.s32 @!p0 $0x1  }
0x4d: {  	_ =	swait.ge @!p0 [sflag:s0], s1  }
0x4e: {  	s1 =	ssub.s32 @!p0 $0x0, s1;
	[sflag:s0] =	ssyncset.done @!p0 $0x0  }
0x4f: {  	[sflag:s0] =	ssyncadd.s32 @!p0 s1  }
0x50: {  	[bflag:$0x3] =	sbarrier.arrive $0xFFFF  }
0x51: {  	_ =	shalt  }

</sc_bundles>
